<compile_context>
chip_gen: v7x
topology: tpu7x:2x2x1
jax: 0.10.2.dev20260603
libtpu: 0.0.44.dev20260713+nightly
codegen_flags: <defaults>
</compile_context>

<pallas_src>
import functools

import jax
import jax.numpy as jnp
from jax import lax
from jax.experimental import pallas as pl
from jax.experimental.pallas import tpu as pltpu
from jax.experimental.pallas import tpu_sc as plsc

NC, NS = 2, 16
NW = NC * NS
GB = 8
LP, EP = 56, 128


@functools.lru_cache(maxsize=None)
def _make_gather(b: int, l: int, emb: int):
    assert b % (NW * GB * 2) == 0
    b_per_w = b // NW
    n_groups = b_per_w // GB
    mesh = plsc.VectorSubcoreMesh(
        core_axis_name="c", subcore_axis_name="s",
        num_cores=NC, num_subcores=NS,
    )

    @functools.partial(
        pl.kernel,
        out_type=jax.ShapeDtypeStruct((b, LP, EP), jnp.float32),
        mesh=mesh,
        scratch_types=[
            pltpu.VMEM((b_per_w, l), jnp.int32),
            pltpu.VMEM((GB, l, emb), jnp.float32),
            pltpu.VMEM((GB, l, emb), jnp.float32),
            pltpu.SemaphoreType.DMA,
            pltpu.SemaphoreType.DMA,
        ],
        compiler_params=pltpu.CompilerParams(use_tc_tiling_on_sc=False),
    )
    def gather_kernel(idx_hbm, table_hbm, out_hbm, idx_v, buf0, buf1,
                      sem0, sem1):
        wid = lax.axis_index("s") * NC + lax.axis_index("c")
        base = wid * b_per_w
        pltpu.sync_copy(idx_hbm.at[pl.ds(base, b_per_w)], idx_v)

        def fire(g, buf, sem):
            for r in range(GB):
                pltpu.async_copy(
                    table_hbm.at[idx_v.at[g * GB + r]],
                    buf.at[r],
                    sem,
                )

        def drain_write(g, buf, sem):
            dst = out_hbm.at[pl.ds(base + g * GB, GB), pl.ds(0, l), pl.ds(0, emb)]
            pltpu.make_async_copy(dst, buf, sem).wait()
            pltpu.sync_copy(buf, dst)

        fire(0, buf0, sem0)

        def body(i, carry):
            ga = 2 * i
            gb_ = 2 * i + 1
            fire(gb_, buf1, sem1)
            drain_write(ga, buf0, sem0)

            @pl.when(gb_ + 1 < n_groups)
            def _():
                fire(gb_ + 1, buf0, sem0)

            drain_write(gb_, buf1, sem1)
            return carry

        lax.fori_loop(0, n_groups // 2, body, 0)

    return gather_kernel


def kernel(x, table):
    b, l = x.shape
    emb = table.shape[1]
    padded = _make_gather(b, l, emb)(x, table)
    return padded[:, :l, :emb]

# --- scband reference (transcript-rebuilt; emitter-appended) ---
"""Pipeline reference for scband-embedding-layer-4964982194502 (READ-ONLY COPY).

The authoritative reference and input builder live on the scoring server;
editing this copy changes nothing except your own understanding.
"""

import jax, jax.numpy as jnp
import numpy as np

VOCAB = 1000000
EMB = 64
B = 16384
L = 50

def setup_inputs(seed: int = 0) -> dict:
    key = jax.random.key(seed)
    k_idx, k_tab = jax.random.split(key)
    x = jax.random.randint(k_idx, (B, L), 0, VOCAB, dtype=jnp.int64 if jax.config.jax_enable_x64 else jnp.int32)
    table = jax.random.normal(k_tab, (VOCAB, EMB), dtype=jnp.float32)
    return {"x": x, "table": table}

def reference(x, table):
    # nn.Embedding forward: gather rows of the table by index
    return jnp.take(table, x, axis=0)

if __name__ == "__main__":
    import jax
    _d = setup_inputs()
    print(jax.jit(kernel)(*tuple(_d.values())))

</pallas_src>

<mosaic_0001>
#map = affine_map<(d0, d1) -> (0, 0)>
#map1 = affine_map<(d0, d1) -> (0, 0, 0)>
module attributes {stable_mosaic.version = 14 : i64} {
  func.func @gather_kernel(%arg0: i32, %arg1: i32, %arg2: memref<16384x50xi32, #tpu.memory_space<hbm>>, %arg3: memref<1000000x64xf32, #tpu.memory_space<hbm>>, %arg4: memref<16384x56x128xf32, #tpu.memory_space<hbm>>, %arg5: memref<512x50xi32, #tpu.memory_space<vmem>>, %arg6: memref<8x50x64xf32, #tpu.memory_space<vmem>>, %arg7: memref<8x50x64xf32, #tpu.memory_space<vmem>>, %arg8: memref<!tpu.dma_semaphore, #tpu.memory_space<semaphore_mem>>, %arg9: memref<!tpu.dma_semaphore, #tpu.memory_space<semaphore_mem>>) attributes {dimension_semantics = [#tpu.dimension_semantics<core_parallel>, #tpu.dimension_semantics<subcore_parallel>], iteration_bounds = array<i64: 2, 16>, scalar_prefetch = 0 : i64, scratch_operands = 5 : i64, tpu.core_type = #tpu.core_type<sc_vector_subcore>, window_params = [{transform_indices = #map}, {transform_indices = #map}, {transform_indices = #map1}]} {
    %mul3A = arith.constant 2 : i32
    %mul3A_0 = arith.muli %arg1, %mul3A : i32
    %add3A = arith.addi %mul3A_0, %arg0 : i32
    %mul3A_1 = arith.constant 512 : i32
    %mul3A_2 = arith.muli %add3A, %mul3A_1 : i32
    "tpu.region"() ({
      %run_scoped3A = tpu.sem_alloc : memref<!tpu.dma_semaphore, #tpu.memory_space<semaphore_mem>>
      %dma_start3A_103 = arith.constant 0 : i32
      %dma_start3A_104 = tpu.memref_slice %arg2[%mul3A_2, %dma_start3A_103] : memref<16384x50xi32, #tpu.memory_space<hbm>> -> memref<512x50xi32, #tpu.memory_space<hbm>>
      %dma_start3A_105 = arith.constant 0 : i32
      %dma_start3A_106 = tpu.memref_slice %arg2[%mul3A_2, %dma_start3A_105] : memref<16384x50xi32, #tpu.memory_space<hbm>> -> memref<512x50xi32, #tpu.memory_space<hbm>>
      tpu.enqueue_dma source(%dma_start3A_106 : memref<512x50xi32, #tpu.memory_space<hbm>>) target(%arg5 : memref<512x50xi32, #tpu.memory_space<vmem>>) target_semaphore(%run_scoped3A : memref<!tpu.dma_semaphore, #tpu.memory_space<semaphore_mem>>)
      %dma_wait3A = arith.constant 0 : i32
      %dma_wait3A_107 = tpu.memref_slice %arg2[%mul3A_2, %dma_wait3A] : memref<16384x50xi32, #tpu.memory_space<hbm>> -> memref<512x50xi32, #tpu.memory_space<hbm>>
      %dma_wait3A_108 = arith.constant 0 : i32
      %dma_wait3A_109 = tpu.memref_slice %arg2[%mul3A_2, %dma_wait3A_108] : memref<16384x50xi32, #tpu.memory_space<hbm>> -> memref<512x50xi32, #tpu.memory_space<hbm>>
      tpu.wait_dma2 semaphore(%run_scoped3A : memref<!tpu.dma_semaphore, #tpu.memory_space<semaphore_mem>>) src(%dma_wait3A_109 : memref<512x50xi32, #tpu.memory_space<hbm>>) dst(%arg5 : memref<512x50xi32, #tpu.memory_space<vmem>>)
      tpu.yield
    }) : () -> ()
    %dma_start3A = arith.constant 0 : i32
    %dma_start3A_3 = arith.constant 0 : i32
    %dma_start3A_4 = arith.constant 0 : i32
    %dma_start3A_5 = arith.constant 0 : i32
    %dma_start3A_6 = tpu.memref_slice %arg6[%dma_start3A_3, %dma_start3A_4, %dma_start3A_5] : memref<8x50x64xf32, #tpu.memory_space<vmem>> -> memref<1x50x64xf32, #tpu.memory_space<vmem>>
    %dma_start3A_7 = tpu.memref_squeeze %dma_start3A_6 : memref<1x50x64xf32, #tpu.memory_space<vmem>> -> memref<50x64xf32, #tpu.memory_space<vmem>>
    %dma_start3A_8 = arith.constant 0 : i32
    %dma_start3A_9 = tpu.memref_slice %arg5[%dma_start3A, %dma_start3A_8] : memref<512x50xi32, #tpu.memory_space<vmem>> -> memref<1x50xi32, #tpu.memory_space<vmem>>
    %dma_start3A_10 = tpu.memref_squeeze %dma_start3A_9 : memref<1x50xi32, #tpu.memory_space<vmem>> -> memref<50xi32, #tpu.memory_space<vmem>>
    %dma_start3A_11 = arith.constant 0 : i32
    %dma_start3A_12 = arith.constant 0 : i32
    %dma_start3A_13 = tpu.memref_slice %arg3[%dma_start3A_11, %dma_start3A_12] : memref<1000000x64xf32, #tpu.memory_space<hbm>> -> memref<1000000x64xf32, #tpu.memory_space<hbm>>
    tpu.enqueue_indirect_dma source(%dma_start3A_13 : memref<1000000x64xf32, #tpu.memory_space<hbm>>) target(%dma_start3A_7 : memref<50x64xf32, #tpu.memory_space<vmem>>) offsets(%dma_start3A_10 : memref<50xi32, #tpu.memory_space<vmem>>) semaphore(%arg8 : memref<!tpu.dma_semaphore, #tpu.memory_space<semaphore_mem>>)
    %dma_start3A_14 = arith.constant 1 : i32
    %dma_start3A_15 = arith.constant 1 : i32
    %dma_start3A_16 = arith.constant 0 : i32
    %dma_start3A_17 = arith.constant 0 : i32
    %dma_start3A_18 = tpu.memref_slice %arg6[%dma_start3A_15, %dma_start3A_16, %dma_start3A_17] : memref<8x50x64xf32, #tpu.memory_space<vmem>> -> memref<1x50x64xf32, #tpu.memory_space<vmem>>
    %dma_start3A_19 = tpu.memref_squeeze %dma_start3A_18 : memref<1x50x64xf32, #tpu.memory_space<vmem>> -> memref<50x64xf32, #tpu.memory_space<vmem>>
    %dma_start3A_20 = arith.constant 0 : i32
    %dma_start3A_21 = tpu.memref_slice %arg5[%dma_start3A_14, %dma_start3A_20] : memref<512x50xi32, #tpu.memory_space<vmem>> -> memref<1x50xi32, #tpu.memory_space<vmem>>
    %dma_start3A_22 = tpu.memref_squeeze %dma_start3A_21 : memref<1x50xi32, #tpu.memory_space<vmem>> -> memref<50xi32, #tpu.memory_space<vmem>>
    %dma_start3A_23 = arith.constant 0 : i32
    %dma_start3A_24 = arith.constant 0 : i32
    %dma_start3A_25 = tpu.memref_slice %arg3[%dma_start3A_23, %dma_start3A_24] : memref<1000000x64xf32, #tpu.memory_space<hbm>> -> memref<1000000x64xf32, #tpu.memory_space<hbm>>
    tpu.enqueue_indirect_dma source(%dma_start3A_25 : memref<1000000x64xf32, #tpu.memory_space<hbm>>) target(%dma_start3A_19 : memref<50x64xf32, #tpu.memory_space<vmem>>) offsets(%dma_start3A_22 : memref<50xi32, #tpu.memory_space<vmem>>) semaphore(%arg8 : memref<!tpu.dma_semaphore, #tpu.memory_space<semaphore_mem>>)
    %dma_start3A_26 = arith.constant 2 : i32
    %dma_start3A_27 = arith.constant 2 : i32
    %dma_start3A_28 = arith.constant 0 : i32
    %dma_start3A_29 = arith.constant 0 : i32
    %dma_start3A_30 = tpu.memref_slice %arg6[%dma_start3A_27, %dma_start3A_28, %dma_start3A_29] : memref<8x50x64xf32, #tpu.memory_space<vmem>> -> memref<1x50x64xf32, #tpu.memory_space<vmem>>
    %dma_start3A_31 = tpu.memref_squeeze %dma_start3A_30 : memref<1x50x64xf32, #tpu.memory_space<vmem>> -> memref<50x64xf32, #tpu.memory_space<vmem>>
    %dma_start3A_32 = arith.constant 0 : i32
    %dma_start3A_33 = tpu.memref_slice %arg5[%dma_start3A_26, %dma_start3A_32] : memref<512x50xi32, #tpu.memory_space<vmem>> -> memref<1x50xi32, #tpu.memory_space<vmem>>
    %dma_start3A_34 = tpu.memref_squeeze %dma_start3A_33 : memref<1x50xi32, #tpu.memory_space<vmem>> -> memref<50xi32, #tpu.memory_space<vmem>>
    %dma_start3A_35 = arith.constant 0 : i32
    %dma_start3A_36 = arith.constant 0 : i32
    %dma_start3A_37 = tpu.memref_slice %arg3[%dma_start3A_35, %dma_start3A_36] : memref<1000000x64xf32, #tpu.memory_space<hbm>> -> memref<1000000x64xf32, #tpu.memory_space<hbm>>
    tpu.enqueue_indirect_dma source(%dma_start3A_37 : memref<1000000x64xf32, #tpu.memory_space<hbm>>) target(%dma_start3A_31 : memref<50x64xf32, #tpu.memory_space<vmem>>) offsets(%dma_start3A_34 : memref<50xi32, #tpu.memory_space<vmem>>) semaphore(%arg8 : memref<!tpu.dma_semaphore, #tpu.memory_space<semaphore_mem>>)
    %dma_start3A_38 = arith.constant 3 : i32
    %dma_start3A_39 = arith.constant 3 : i32
    %dma_start3A_40 = arith.constant 0 : i32
    %dma_start3A_41 = arith.constant 0 : i32
    %dma_start3A_42 = tpu.memref_slice %arg6[%dma_start3A_39, %dma_start3A_40, %dma_start3A_41] : memref<8x50x64xf32, #tpu.memory_space<vmem>> -> memref<1x50x64xf32, #tpu.memory_space<vmem>>
    %dma_start3A_43 = tpu.memref_squeeze %dma_start3A_42 : memref<1x50x64xf32, #tpu.memory_space<vmem>> -> memref<50x64xf32, #tpu.memory_space<vmem>>
    %dma_start3A_44 = arith.constant 0 : i32
    %dma_start3A_45 = tpu.memref_slice %arg5[%dma_start3A_38, %dma_start3A_44] : memref<512x50xi32, #tpu.memory_space<vmem>> -> memref<1x50xi32, #tpu.memory_space<vmem>>
    %dma_start3A_46 = tpu.memref_squeeze %dma_start3A_45 : memref<1x50xi32, #tpu.memory_space<vmem>> -> memref<50xi32, #tpu.memory_space<vmem>>
    %dma_start3A_47 = arith.constant 0 : i32
    %dma_start3A_48 = arith.constant 0 : i32
    %dma_start3A_49 = tpu.memref_slice %arg3[%dma_start3A_47, %dma_start3A_48] : memref<1000000x64xf32, #tpu.memory_space<hbm>> -> memref<1000000x64xf32, #tpu.memory_space<hbm>>
    tpu.enqueue_indirect_dma source(%dma_start3A_49 : memref<1000000x64xf32, #tpu.memory_space<hbm>>) target(%dma_start3A_43 : memref<50x64xf32, #tpu.memory_space<vmem>>) offsets(%dma_start3A_46 : memref<50xi32, #tpu.memory_space<vmem>>) semaphore(%arg8 : memref<!tpu.dma_semaphore, #tpu.memory_space<semaphore_mem>>)
    %dma_start3A_50 = arith.constant 4 : i32
    %dma_start3A_51 = arith.constant 4 : i32
    %dma_start3A_52 = arith.constant 0 : i32
    %dma_start3A_53 = arith.constant 0 : i32
    %dma_start3A_54 = tpu.memref_slice %arg6[%dma_start3A_51, %dma_start3A_52, %dma_start3A_53] : memref<8x50x64xf32, #tpu.memory_space<vmem>> -> memref<1x50x64xf32, #tpu.memory_space<vmem>>
    %dma_start3A_55 = tpu.memref_squeeze %dma_start3A_54 : memref<1x50x64xf32, #tpu.memory_space<vmem>> -> memref<50x64xf32, #tpu.memory_space<vmem>>
    %dma_start3A_56 = arith.constant 0 : i32
    %dma_start3A_57 = tpu.memref_slice %arg5[%dma_start3A_50, %dma_start3A_56] : memref<512x50xi32, #tpu.memory_space<vmem>> -> memref<1x50xi32, #tpu.memory_space<vmem>>
    %dma_start3A_58 = tpu.memref_squeeze %dma_start3A_57 : memref<1x50xi32, #tpu.memory_space<vmem>> -> memref<50xi32, #tpu.memory_space<vmem>>
    %dma_start3A_59 = arith.constant 0 : i32
    %dma_start3A_60 = arith.constant 0 : i32
    %dma_start3A_61 = tpu.memref_slice %arg3[%dma_start3A_59, %dma_start3A_60] : memref<1000000x64xf32, #tpu.memory_space<hbm>> -> memref<1000000x64xf32, #tpu.memory_space<hbm>>
    tpu.enqueue_indirect_dma source(%dma_start3A_61 : memref<1000000x64xf32, #tpu.memory_space<hbm>>) target(%dma_start3A_55 : memref<50x64xf32, #tpu.memory_space<vmem>>) offsets(%dma_start3A_58 : memref<50xi32, #tpu.memory_space<vmem>>) semaphore(%arg8 : memref<!tpu.dma_semaphore, #tpu.memory_space<semaphore_mem>>)
    %dma_start3A_62 = arith.constant 5 : i32
    %dma_start3A_63 = arith.constant 5 : i32
    %dma_start3A_64 = arith.constant 0 : i32
    %dma_start3A_65 = arith.constant 0 : i32
    %dma_start3A_66 = tpu.memref_slice %arg6[%dma_start3A_63, %dma_start3A_64, %dma_start3A_65] : memref<8x50x64xf32, #tpu.memory_space<vmem>> -> memref<1x50x64xf32, #tpu.memory_space<vmem>>
    %dma_start3A_67 = tpu.memref_squeeze %dma_start3A_66 : memref<1x50x64xf32, #tpu.memory_space<vmem>> -> memref<50x64xf32, #tpu.memory_space<vmem>>
    %dma_start3A_68 = arith.constant 0 : i32
    %dma_start3A_69 = tpu.memref_slice %arg5[%dma_start3A_62, %dma_start3A_68] : memref<512x50xi32, #tpu.memory_space<vmem>> -> memref<1x50xi32, #tpu.memory_space<vmem>>
    %dma_start3A_70 = tpu.memref_squeeze %dma_start3A_69 : memref<1x50xi32, #tpu.memory_space<vmem>> -> memref<50xi32, #tpu.memory_space<vmem>>
    %dma_start3A_71 = arith.constant 0 : i32
    %dma_start3A_72 = arith.constant 0 : i32
    %dma_start3A_73 = tpu.memref_slice %arg3[%dma_start3A_71, %dma_start3A_72] : memref<1000000x64xf32, #tpu.memory_space<hbm>> -> memref<1000000x64xf32, #tpu.memory_space<hbm>>
    tpu.enqueue_indirect_dma source(%dma_start3A_73 : memref<1000000x64xf32, #tpu.memory_space<hbm>>) target(%dma_start3A_67 : memref<50x64xf32, #tpu.memory_space<vmem>>) offsets(%dma_start3A_70 : memref<50xi32, #tpu.memory_space<vmem>>) semaphore(%arg8 : memref<!tpu.dma_semaphore, #tpu.memory_space<semaphore_mem>>)
    %dma_start3A_74 = arith.constant 6 : i32
    %dma_start3A_75 = arith.constant 6 : i32
    %dma_start3A_76 = arith.constant 0 : i32
    %dma_start3A_77 = arith.constant 0 : i32
    %dma_start3A_78 = tpu.memref_slice %arg6[%dma_start3A_75, %dma_start3A_76, %dma_start3A_77] : memref<8x50x64xf32, #tpu.memory_space<vmem>> -> memref<1x50x64xf32, #tpu.memory_space<vmem>>
    %dma_start3A_79 = tpu.memref_squeeze %dma_start3A_78 : memref<1x50x64xf32, #tpu.memory_space<vmem>> -> memref<50x64xf32, #tpu.memory_space<vmem>>
    %dma_start3A_80 = arith.constant 0 : i32
    %dma_start3A_81 = tpu.memref_slice %arg5[%dma_start3A_74, %dma_start3A_80] : memref<512x50xi32, #tpu.memory_space<vmem>> -> memref<1x50xi32, #tpu.memory_space<vmem>>
    %dma_start3A_82 = tpu.memref_squeeze %dma_start3A_81 : memref<1x50xi32, #tpu.memory_space<vmem>> -> memref<50xi32, #tpu.memory_space<vmem>>
    %dma_start3A_83 = arith.constant 0 : i32
    %dma_start3A_84 = arith.constant 0 : i32
    %dma_start3A_85 = tpu.memref_slice %arg3[%dma_start3A_83, %dma_start3A_84] : memref<1000000x64xf32, #tpu.memory_space<hbm>> -> memref<1000000x64xf32, #tpu.memory_space<hbm>>
    tpu.enqueue_indirect_dma source(%dma_start3A_85 : memref<1000000x64xf32, #tpu.memory_space<hbm>>) target(%dma_start3A_79 : memref<50x64xf32, #tpu.memory_space<vmem>>) offsets(%dma_start3A_82 : memref<50xi32, #tpu.memory_space<vmem>>) semaphore(%arg8 : memref<!tpu.dma_semaphore, #tpu.memory_space<semaphore_mem>>)
    %dma_start3A_86 = arith.constant 7 : i32
    %dma_start3A_87 = arith.constant 7 : i32
    %dma_start3A_88 = arith.constant 0 : i32
    %dma_start3A_89 = arith.constant 0 : i32
    %dma_start3A_90 = tpu.memref_slice %arg6[%dma_start3A_87, %dma_start3A_88, %dma_start3A_89] : memref<8x50x64xf32, #tpu.memory_space<vmem>> -> memref<1x50x64xf32, #tpu.memory_space<vmem>>
    %dma_start3A_91 = tpu.memref_squeeze %dma_start3A_90 : memref<1x50x64xf32, #tpu.memory_space<vmem>> -> memref<50x64xf32, #tpu.memory_space<vmem>>
    %dma_start3A_92 = arith.constant 0 : i32
    %dma_start3A_93 = tpu.memref_slice %arg5[%dma_start3A_86, %dma_start3A_92] : memref<512x50xi32, #tpu.memory_space<vmem>> -> memref<1x50xi32, #tpu.memory_space<vmem>>
    %dma_start3A_94 = tpu.memref_squeeze %dma_start3A_93 : memref<1x50xi32, #tpu.memory_space<vmem>> -> memref<50xi32, #tpu.memory_space<vmem>>
    %dma_start3A_95 = arith.constant 0 : i32
    %dma_start3A_96 = arith.constant 0 : i32
    %dma_start3A_97 = tpu.memref_slice %arg3[%dma_start3A_95, %dma_start3A_96] : memref<1000000x64xf32, #tpu.memory_space<hbm>> -> memref<1000000x64xf32, #tpu.memory_space<hbm>>
    tpu.enqueue_indirect_dma source(%dma_start3A_97 : memref<1000000x64xf32, #tpu.memory_space<hbm>>) target(%dma_start3A_91 : memref<50x64xf32, #tpu.memory_space<vmem>>) offsets(%dma_start3A_94 : memref<50xi32, #tpu.memory_space<vmem>>) semaphore(%arg8 : memref<!tpu.dma_semaphore, #tpu.memory_space<semaphore_mem>>)
    %scan3A = arith.constant 0 : i32
    %scan3A_98 = arith.constant 0 : i32
    %scan3A_99 = arith.constant 32 : i32
    %scan3A_100 = arith.addi %scan3A_98, %scan3A_99 : i32
    %scan3A_101 = arith.constant 1 : i32
    scf.for %scan3A_103 = %scan3A_98 to %scan3A_100 step %scan3A_101  : i32 {
      %mul3A_104 = arith.constant 2 : i32
      %mul3A_105 = arith.muli %mul3A_104, %scan3A_103 : i32
      %mul3A_106 = arith.constant 2 : i32
      %mul3A_107 = arith.muli %mul3A_106, %scan3A_103 : i32
      %add3A_108 = arith.constant 1 : i32
      %add3A_109 = arith.addi %mul3A_107, %add3A_108 : i32
      %mul3A_110 = arith.constant 8 : i32
      %mul3A_111 = arith.muli %add3A_109, %mul3A_110 : i32
      %add3A_112 = arith.constant 0 : i32
      %add3A_113 = arith.addi %mul3A_111, %add3A_112 : i32
      %dma_start3A_114 = arith.constant 0 : i32
      %dma_start3A_115 = arith.constant 0 : i32
      %dma_start3A_116 = arith.constant 0 : i32
      %dma_start3A_117 = tpu.memref_slice %arg7[%dma_start3A_114, %dma_start3A_115, %dma_start3A_116] : memref<8x50x64xf32, #tpu.memory_space<vmem>> -> memref<1x50x64xf32, #tpu.memory_space<vmem>>
      %dma_start3A_118 = tpu.memref_squeeze %dma_start3A_117 : memref<1x50x64xf32, #tpu.memory_space<vmem>> -> memref<50x64xf32, #tpu.memory_space<vmem>>
      %dma_start3A_119 = arith.constant 0 : i32
      %dma_start3A_120 = tpu.memref_slice %arg5[%add3A_113, %dma_start3A_119] : memref<512x50xi32, #tpu.memory_space<vmem>> -> memref<1x50xi32, #tpu.memory_space<vmem>>
      %dma_start3A_121 = tpu.memref_squeeze %dma_start3A_120 : memref<1x50xi32, #tpu.memory_space<vmem>> -> memref<50xi32, #tpu.memory_space<vmem>>
      %dma_start3A_122 = arith.constant 0 : i32
      %dma_start3A_123 = arith.constant 0 : i32
      %dma_start3A_124 = tpu.memref_slice %arg3[%dma_start3A_122, %dma_start3A_123] : memref<1000000x64xf32, #tpu.memory_space<hbm>> -> memref<1000000x64xf32, #tpu.memory_space<hbm>>
      tpu.enqueue_indirect_dma source(%dma_start3A_124 : memref<1000000x64xf32, #tpu.memory_space<hbm>>) target(%dma_start3A_118 : memref<50x64xf32, #tpu.memory_space<vmem>>) offsets(%dma_start3A_121 : memref<50xi32, #tpu.memory_space<vmem>>) semaphore(%arg9 : memref<!tpu.dma_semaphore, #tpu.memory_space<semaphore_mem>>)
      %mul3A_125 = arith.constant 8 : i32
      %mul3A_126 = arith.muli %add3A_109, %mul3A_125 : i32
      %add3A_127 = arith.constant 1 : i32
      %add3A_128 = arith.addi %mul3A_126, %add3A_127 : i32
      %dma_start3A_129 = arith.constant 1 : i32
      %dma_start3A_130 = arith.constant 0 : i32
      %dma_start3A_131 = arith.constant 0 : i32
      %dma_start3A_132 = tpu.memref_slice %arg7[%dma_start3A_129, %dma_start3A_130, %dma_start3A_131] : memref<8x50x64xf32, #tpu.memory_space<vmem>> -> memref<1x50x64xf32, #tpu.memory_space<vmem>>
      %dma_start3A_133 = tpu.memref_squeeze %dma_start3A_132 : memref<1x50x64xf32, #tpu.memory_space<vmem>> -> memref<50x64xf32, #tpu.memory_space<vmem>>
      %dma_start3A_134 = arith.constant 0 : i32
      %dma_start3A_135 = tpu.memref_slice %arg5[%add3A_128, %dma_start3A_134] : memref<512x50xi32, #tpu.memory_space<vmem>> -> memref<1x50xi32, #tpu.memory_space<vmem>>
      %dma_start3A_136 = tpu.memref_squeeze %dma_start3A_135 : memref<1x50xi32, #tpu.memory_space<vmem>> -> memref<50xi32, #tpu.memory_space<vmem>>
      %dma_start3A_137 = arith.constant 0 : i32
      %dma_start3A_138 = arith.constant 0 : i32
      %dma_start3A_139 = tpu.memref_slice %arg3[%dma_start3A_137, %dma_start3A_138] : memref<1000000x64xf32, #tpu.memory_space<hbm>> -> memref<1000000x64xf32, #tpu.memory_space<hbm>>
      tpu.enqueue_indirect_dma source(%dma_start3A_139 : memref<1000000x64xf32, #tpu.memory_space<hbm>>) target(%dma_start3A_133 : memref<50x64xf32, #tpu.memory_space<vmem>>) offsets(%dma_start3A_136 : memref<50xi32, #tpu.memory_space<vmem>>) semaphore(%arg9 : memref<!tpu.dma_semaphore, #tpu.memory_space<semaphore_mem>>)
      %mul3A_140 = arith.constant 8 : i32
      %mul3A_141 = arith.muli %add3A_109, %mul3A_140 : i32
      %add3A_142 = arith.constant 2 : i32
      %add3A_143 = arith.addi %mul3A_141, %add3A_142 : i32
      %dma_start3A_144 = arith.constant 2 : i32
      %dma_start3A_145 = arith.constant 0 : i32
      %dma_start3A_146 = arith.constant 0 : i32
      %dma_start3A_147 = tpu.memref_slice %arg7[%dma_start3A_144, %dma_start3A_145, %dma_start3A_146] : memref<8x50x64xf32, #tpu.memory_space<vmem>> -> memref<1x50x64xf32, #tpu.memory_space<vmem>>
      %dma_start3A_148 = tpu.memref_squeeze %dma_start3A_147 : memref<1x50x64xf32, #tpu.memory_space<vmem>> -> memref<50x64xf32, #tpu.memory_space<vmem>>
      %dma_start3A_149 = arith.constant 0 : i32
      %dma_start3A_150 = tpu.memref_slice %arg5[%add3A_143, %dma_start3A_149] : memref<512x50xi32, #tpu.memory_space<vmem>> -> memref<1x50xi32, #tpu.memory_space<vmem>>
      %dma_start3A_151 = tpu.memref_squeeze %dma_start3A_150 : memref<1x50xi32, #tpu.memory_space<vmem>> -> memref<50xi32, #tpu.memory_space<vmem>>
      %dma_start3A_152 = arith.constant 0 : i32
      %dma_start3A_153 = arith.constant 0 : i32
      %dma_start3A_154 = tpu.memref_slice %arg3[%dma_start3A_152, %dma_start3A_153] : memref<1000000x64xf32, #tpu.memory_space<hbm>> -> memref<1000000x64xf32, #tpu.memory_space<hbm>>
      tpu.enqueue_indirect_dma source(%dma_start3A_154 : memref<1000000x64xf32, #tpu.memory_space<hbm>>) target(%dma_start3A_148 : memref<50x64xf32, #tpu.memory_space<vmem>>) offsets(%dma_start3A_151 : memref<50xi32, #tpu.memory_space<vmem>>) semaphore(%arg9 : memref<!tpu.dma_semaphore, #tpu.memory_space<semaphore_mem>>)
      %mul3A_155 = arith.constant 8 : i32
      %mul3A_156 = arith.muli %add3A_109, %mul3A_155 : i32
      %add3A_157 = arith.constant 3 : i32
      %add3A_158 = arith.addi %mul3A_156, %add3A_157 : i32
      %dma_start3A_159 = arith.constant 3 : i32
      %dma_start3A_160 = arith.constant 0 : i32
      %dma_start3A_161 = arith.constant 0 : i32
      %dma_start3A_162 = tpu.memref_slice %arg7[%dma_start3A_159, %dma_start3A_160, %dma_start3A_161] : memref<8x50x64xf32, #tpu.memory_space<vmem>> -> memref<1x50x64xf32, #tpu.memory_space<vmem>>
      %dma_start3A_163 = tpu.memref_squeeze %dma_start3A_162 : memref<1x50x64xf32, #tpu.memory_space<vmem>> -> memref<50x64xf32, #tpu.memory_space<vmem>>
      %dma_start3A_164 = arith.constant 0 : i32
      %dma_start3A_165 = tpu.memref_slice %arg5[%add3A_158, %dma_start3A_164] : memref<512x50xi32, #tpu.memory_space<vmem>> -> memref<1x50xi32, #tpu.memory_space<vmem>>
      %dma_start3A_166 = tpu.memref_squeeze %dma_start3A_165 : memref<1x50xi32, #tpu.memory_space<vmem>> -> memref<50xi32, #tpu.memory_space<vmem>>
      %dma_start3A_167 = arith.constant 0 : i32
      %dma_start3A_168 = arith.constant 0 : i32
      %dma_start3A_169 = tpu.memref_slice %arg3[%dma_start3A_167, %dma_start3A_168] : memref<1000000x64xf32, #tpu.memory_space<hbm>> -> memref<1000000x64xf32, #tpu.memory_space<hbm>>
      tpu.enqueue_indirect_dma source(%dma_start3A_169 : memref<1000000x64xf32, #tpu.memory_space<hbm>>) target(%dma_start3A_163 : memref<50x64xf32, #tpu.memory_space<vmem>>) offsets(%dma_start3A_166 : memref<50xi32, #tpu.memory_space<vmem>>) semaphore(%arg9 : memref<!tpu.dma_semaphore, #tpu.memory_space<semaphore_mem>>)
      %mul3A_170 = arith.constant 8 : i32
      %mul3A_171 = arith.muli %add3A_109, %mul3A_170 : i32
      %add3A_172 = arith.constant 4 : i32
      %add3A_173 = arith.addi %mul3A_171, %add3A_172 : i32
      %dma_start3A_174 = arith.constant 4 : i32
      %dma_start3A_175 = arith.constant 0 : i32
      %dma_start3A_176 = arith.constant 0 : i32
      %dma_start3A_177 = tpu.memref_slice %arg7[%dma_start3A_174, %dma_start3A_175, %dma_start3A_176] : memref<8x50x64xf32, #tpu.memory_space<vmem>> -> memref<1x50x64xf32, #tpu.memory_space<vmem>>
      %dma_start3A_178 = tpu.memref_squeeze %dma_start3A_177 : memref<1x50x64xf32, #tpu.memory_space<vmem>> -> memref<50x64xf32, #tpu.memory_space<vmem>>
      %dma_start3A_179 = arith.constant 0 : i32
      %dma_start3A_180 = tpu.memref_slice %arg5[%add3A_173, %dma_start3A_179] : memref<512x50xi32, #tpu.memory_space<vmem>> -> memref<1x50xi32, #tpu.memory_space<vmem>>
      %dma_start3A_181 = tpu.memref_squeeze %dma_start3A_180 : memref<1x50xi32, #tpu.memory_space<vmem>> -> memref<50xi32, #tpu.memory_space<vmem>>
      %dma_start3A_182 = arith.constant 0 : i32
      %dma_start3A_183 = arith.constant 0 : i32
      %dma_start3A_184 = tpu.memref_slice %arg3[%dma_start3A_182, %dma_start3A_183] : memref<1000000x64xf32, #tpu.memory_space<hbm>> -> memref<1000000x64xf32, #tpu.memory_space<hbm>>
      tpu.enqueue_indirect_dma source(%dma_start3A_184 : memref<1000000x64xf32, #tpu.memory_space<hbm>>) target(%dma_start3A_178 : memref<50x64xf32, #tpu.memory_space<vmem>>) offsets(%dma_start3A_181 : memref<50xi32, #tpu.memory_space<vmem>>) semaphore(%arg9 : memref<!tpu.dma_semaphore, #tpu.memory_space<semaphore_mem>>)
      %mul3A_185 = arith.constant 8 : i32
      %mul3A_186 = arith.muli %add3A_109, %mul3A_185 : i32
      %add3A_187 = arith.constant 5 : i32
      %add3A_188 = arith.addi %mul3A_186, %add3A_187 : i32
      %dma_start3A_189 = arith.constant 5 : i32
      %dma_start3A_190 = arith.constant 0 : i32
      %dma_start3A_191 = arith.constant 0 : i32
      %dma_start3A_192 = tpu.memref_slice %arg7[%dma_start3A_189, %dma_start3A_190, %dma_start3A_191] : memref<8x50x64xf32, #tpu.memory_space<vmem>> -> memref<1x50x64xf32, #tpu.memory_space<vmem>>
      %dma_start3A_193 = tpu.memref_squeeze %dma_start3A_192 : memref<1x50x64xf32, #tpu.memory_space<vmem>> -> memref<50x64xf32, #tpu.memory_space<vmem>>
      %dma_start3A_194 = arith.constant 0 : i32
      %dma_start3A_195 = tpu.memref_slice %arg5[%add3A_188, %dma_start3A_194] : memref<512x50xi32, #tpu.memory_space<vmem>> -> memref<1x50xi32, #tpu.memory_space<vmem>>
      %dma_start3A_196 = tpu.memref_squeeze %dma_start3A_195 : memref<1x50xi32, #tpu.memory_space<vmem>> -> memref<50xi32, #tpu.memory_space<vmem>>
      %dma_start3A_197 = arith.constant 0 : i32
      %dma_start3A_198 = arith.constant 0 : i32
      %dma_start3A_199 = tpu.memref_slice %arg3[%dma_start3A_197, %dma_start3A_198] : memref<1000000x64xf32, #tpu.memory_space<hbm>> -> memref<1000000x64xf32, #tpu.memory_space<hbm>>
      tpu.enqueue_indirect_dma source(%dma_start3A_199 : memref<1000000x64xf32, #tpu.memory_space<hbm>>) target(%dma_start3A_193 : memref<50x64xf32, #tpu.memory_space<vmem>>) offsets(%dma_start3A_196 : memref<50xi32, #tpu.memory_space<vmem>>) semaphore(%arg9 : memref<!tpu.dma_semaphore, #tpu.memory_space<semaphore_mem>>)
      %mul3A_200 = arith.constant 8 : i32
      %mul3A_201 = arith.muli %add3A_109, %mul3A_200 : i32
      %add3A_202 = arith.constant 6 : i32
      %add3A_203 = arith.addi %mul3A_201, %add3A_202 : i32
      %dma_start3A_204 = arith.constant 6 : i32
      %dma_start3A_205 = arith.constant 0 : i32
      %dma_start3A_206 = arith.constant 0 : i32
      %dma_start3A_207 = tpu.memref_slice %arg7[%dma_start3A_204, %dma_start3A_205, %dma_start3A_206] : memref<8x50x64xf32, #tpu.memory_space<vmem>> -> memref<1x50x64xf32, #tpu.memory_space<vmem>>
      %dma_start3A_208 = tpu.memref_squeeze %dma_start3A_207 : memref<1x50x64xf32, #tpu.memory_space<vmem>> -> memref<50x64xf32, #tpu.memory_space<vmem>>
      %dma_start3A_209 = arith.constant 0 : i32
      %dma_start3A_210 = tpu.memref_slice %arg5[%add3A_203, %dma_start3A_209] : memref<512x50xi32, #tpu.memory_space<vmem>> -> memref<1x50xi32, #tpu.memory_space<vmem>>
      %dma_start3A_211 = tpu.memref_squeeze %dma_start3A_210 : memref<1x50xi32, #tpu.memory_space<vmem>> -> memref<50xi32, #tpu.memory_space<vmem>>
      %dma_start3A_212 = arith.constant 0 : i32
      %dma_start3A_213 = arith.constant 0 : i32
      %dma_start3A_214 = tpu.memref_slice %arg3[%dma_start3A_212, %dma_start3A_213] : memref<1000000x64xf32, #tpu.memory_space<hbm>> -> memref<1000000x64xf32, #tpu.memory_space<hbm>>
      tpu.enqueue_indirect_dma source(%dma_start3A_214 : memref<1000000x64xf32, #tpu.memory_space<hbm>>) target(%dma_start3A_208 : memref<50x64xf32, #tpu.memory_space<vmem>>) offsets(%dma_start3A_211 : memref<50xi32, #tpu.memory_space<vmem>>) semaphore(%arg9 : memref<!tpu.dma_semaphore, #tpu.memory_space<semaphore_mem>>)
      %mul3A_215 = arith.constant 8 : i32
      %mul3A_216 = arith.muli %add3A_109, %mul3A_215 : i32
      %add3A_217 = arith.constant 7 : i32
      %add3A_218 = arith.addi %mul3A_216, %add3A_217 : i32
      %dma_start3A_219 = arith.constant 7 : i32
      %dma_start3A_220 = arith.constant 0 : i32
      %dma_start3A_221 = arith.constant 0 : i32
      %dma_start3A_222 = tpu.memref_slice %arg7[%dma_start3A_219, %dma_start3A_220, %dma_start3A_221] : memref<8x50x64xf32, #tpu.memory_space<vmem>> -> memref<1x50x64xf32, #tpu.memory_space<vmem>>
      %dma_start3A_223 = tpu.memref_squeeze %dma_start3A_222 : memref<1x50x64xf32, #tpu.memory_space<vmem>> -> memref<50x64xf32, #tpu.memory_space<vmem>>
      %dma_start3A_224 = arith.constant 0 : i32
      %dma_start3A_225 = tpu.memref_slice %arg5[%add3A_218, %dma_start3A_224] : memref<512x50xi32, #tpu.memory_space<vmem>> -> memref<1x50xi32, #tpu.memory_space<vmem>>
      %dma_start3A_226 = tpu.memref_squeeze %dma_start3A_225 : memref<1x50xi32, #tpu.memory_space<vmem>> -> memref<50xi32, #tpu.memory_space<vmem>>
      %dma_start3A_227 = arith.constant 0 : i32
      %dma_start3A_228 = arith.constant 0 : i32
      %dma_start3A_229 = tpu.memref_slice %arg3[%dma_start3A_227, %dma_start3A_228] : memref<1000000x64xf32, #tpu.memory_space<hbm>> -> memref<1000000x64xf32, #tpu.memory_space<hbm>>
      tpu.enqueue_indirect_dma source(%dma_start3A_229 : memref<1000000x64xf32, #tpu.memory_space<hbm>>) target(%dma_start3A_223 : memref<50x64xf32, #tpu.memory_space<vmem>>) offsets(%dma_start3A_226 : memref<50xi32, #tpu.memory_space<vmem>>) semaphore(%arg9 : memref<!tpu.dma_semaphore, #tpu.memory_space<semaphore_mem>>)
      %mul3A_230 = arith.constant 8 : i32
      %mul3A_231 = arith.muli %mul3A_105, %mul3A_230 : i32
      %add3A_232 = arith.addi %mul3A_2, %mul3A_231 : i32
      %dma_wait3A = arith.constant 0 : i32
      %dma_wait3A_233 = arith.constant 0 : i32
      %dma_wait3A_234 = tpu.memref_slice %arg4[%add3A_232, %dma_wait3A, %dma_wait3A_233] : memref<16384x56x128xf32, #tpu.memory_space<hbm>> -> memref<8x50x64xf32, #tpu.memory_space<hbm>>
      %dma_wait3A_235 = arith.constant 0 : i32
      %dma_wait3A_236 = arith.constant 0 : i32
      %dma_wait3A_237 = tpu.memref_slice %arg4[%add3A_232, %dma_wait3A_235, %dma_wait3A_236] : memref<16384x56x128xf32, #tpu.memory_space<hbm>> -> memref<8x50x64xf32, #tpu.memory_space<hbm>>
      tpu.wait_dma2 semaphore(%arg8 : memref<!tpu.dma_semaphore, #tpu.memory_space<semaphore_mem>>) src(%dma_wait3A_237 : memref<8x50x64xf32, #tpu.memory_space<hbm>>) dst(%arg6 : memref<8x50x64xf32, #tpu.memory_space<vmem>>)
      "tpu.region"() ({
        %run_scoped3A = tpu.sem_alloc : memref<!tpu.dma_semaphore, #tpu.memory_space<semaphore_mem>>
        %dma_start3A_251 = arith.constant 0 : i32
        %dma_start3A_252 = arith.constant 0 : i32
        %dma_start3A_253 = tpu.memref_slice %arg4[%add3A_232, %dma_start3A_251, %dma_start3A_252] : memref<16384x56x128xf32, #tpu.memory_space<hbm>> -> memref<8x50x64xf32, #tpu.memory_space<hbm>>
        %dma_start3A_254 = arith.constant 0 : i32
        %dma_start3A_255 = arith.constant 0 : i32
        %dma_start3A_256 = tpu.memref_slice %arg4[%add3A_232, %dma_start3A_254, %dma_start3A_255] : memref<16384x56x128xf32, #tpu.memory_space<hbm>> -> memref<8x50x64xf32, #tpu.memory_space<hbm>>
        tpu.enqueue_dma source(%arg6 : memref<8x50x64xf32, #tpu.memory_space<vmem>>) target(%dma_start3A_256 : memref<8x50x64xf32, #tpu.memory_space<hbm>>) target_semaphore(%run_scoped3A : memref<!tpu.dma_semaphore, #tpu.memory_space<semaphore_mem>>)
        %dma_wait3A_257 = arith.constant 0 : i32
        %dma_wait3A_258 = arith.constant 0 : i32
        %dma_wait3A_259 = tpu.memref_slice %arg4[%add3A_232, %dma_wait3A_257, %dma_wait3A_258] : memref<16384x56x128xf32, #tpu.memory_space<hbm>> -> memref<8x50x64xf32, #tpu.memory_space<hbm>>
        %dma_wait3A_260 = arith.constant 0 : i32
        %dma_wait3A_261 = arith.constant 0 : i32
        %dma_wait3A_262 = tpu.memref_slice %arg4[%add3A_232, %dma_wait3A_260, %dma_wait3A_261] : memref<16384x56x128xf32, #tpu.memory_space<hbm>> -> memref<8x50x64xf32, #tpu.memory_space<hbm>>
        tpu.wait_dma2 semaphore(%run_scoped3A : memref<!tpu.dma_semaphore, #tpu.memory_space<semaphore_mem>>) src(%arg6 : memref<8x50x64xf32, #tpu.memory_space<vmem>>) dst(%dma_wait3A_262 : memref<8x50x64xf32, #tpu.memory_space<hbm>>)
        tpu.yield
      }) : () -> ()
      %add3A_238 = arith.constant 1 : i32
      %add3A_239 = arith.addi %add3A_109, %add3A_238 : i32
      %lt3A = arith.constant 64 : i32
      %lt3A_240 = arith.cmpi slt, %add3A_239, %lt3A : i32
      %convert_element_type3A = arith.extui %lt3A_240 : i1 to i32
      %cond3A = arith.constant 0 : i32
      %cond3A_241 = arith.cmpi ne, %convert_element_type3A, %cond3A : i32
      scf.if %cond3A_241 {
        %add3A_251 = arith.constant 1 : i32
        %add3A_252 = arith.addi %add3A_109, %add3A_251 : i32
        %mul3A_253 = arith.constant 8 : i32
        %mul3A_254 = arith.muli %add3A_252, %mul3A_253 : i32
        %add3A_255 = arith.constant 0 : i32
        %add3A_256 = arith.addi %mul3A_254, %add3A_255 : i32
        %dma_start3A_257 = arith.constant 0 : i32
        %dma_start3A_258 = arith.constant 0 : i32
        %dma_start3A_259 = arith.constant 0 : i32
        %dma_start3A_260 = tpu.memref_slice %arg6[%dma_start3A_257, %dma_start3A_258, %dma_start3A_259] : memref<8x50x64xf32, #tpu.memory_space<vmem>> -> memref<1x50x64xf32, #tpu.memory_space<vmem>>
        %dma_start3A_261 = tpu.memref_squeeze %dma_start3A_260 : memref<1x50x64xf32, #tpu.memory_space<vmem>> -> memref<50x64xf32, #tpu.memory_space<vmem>>
        %dma_start3A_262 = arith.constant 0 : i32
        %dma_start3A_263 = tpu.memref_slice %arg5[%add3A_256, %dma_start3A_262] : memref<512x50xi32, #tpu.memory_space<vmem>> -> memref<1x50xi32, #tpu.memory_space<vmem>>
        %dma_start3A_264 = tpu.memref_squeeze %dma_start3A_263 : memref<1x50xi32, #tpu.memory_space<vmem>> -> memref<50xi32, #tpu.memory_space<vmem>>
        %dma_start3A_265 = arith.constant 0 : i32
        %dma_start3A_266 = arith.constant 0 : i32
        %dma_start3A_267 = tpu.memref_slice %arg3[%dma_start3A_265, %dma_start3A_266] : memref<1000000x64xf32, #tpu.memory_space<hbm>> -> memref<1000000x64xf32, #tpu.memory_space<hbm>>
        tpu.enqueue_indirect_dma source(%dma_start3A_267 : memref<1000000x64xf32, #tpu.memory_space<hbm>>) target(%dma_start3A_261 : memref<50x64xf32, #tpu.memory_space<vmem>>) offsets(%dma_start3A_264 : memref<50xi32, #tpu.memory_space<vmem>>) semaphore(%arg8 : memref<!tpu.dma_semaphore, #tpu.memory_space<semaphore_mem>>)
        %mul3A_268 = arith.constant 8 : i32
        %mul3A_269 = arith.muli %add3A_252, %mul3A_268 : i32
        %add3A_270 = arith.constant 1 : i32
        %add3A_271 = arith.addi %mul3A_269, %add3A_270 : i32
        %dma_start3A_272 = arith.constant 1 : i32
        %dma_start3A_273 = arith.constant 0 : i32
        %dma_start3A_274 = arith.constant 0 : i32
        %dma_start3A_275 = tpu.memref_slice %arg6[%dma_start3A_272, %dma_start3A_273, %dma_start3A_274] : memref<8x50x64xf32, #tpu.memory_space<vmem>> -> memref<1x50x64xf32, #tpu.memory_space<vmem>>
        %dma_start3A_276 = tpu.memref_squeeze %dma_start3A_275 : memref<1x50x64xf32, #tpu.memory_space<vmem>> -> memref<50x64xf32, #tpu.memory_space<vmem>>
        %dma_start3A_277 = arith.constant 0 : i32
        %dma_start3A_278 = tpu.memref_slice %arg5[%add3A_271, %dma_start3A_277] : memref<512x50xi32, #tpu.memory_space<vmem>> -> memref<1x50xi32, #tpu.memory_space<vmem>>
        %dma_start3A_279 = tpu.memref_squeeze %dma_start3A_278 : memref<1x50xi32, #tpu.memory_space<vmem>> -> memref<50xi32, #tpu.memory_space<vmem>>
        %dma_start3A_280 = arith.constant 0 : i32
        %dma_start3A_281 = arith.constant 0 : i32
        %dma_start3A_282 = tpu.memref_slice %arg3[%dma_start3A_280, %dma_start3A_281] : memref<1000000x64xf32, #tpu.memory_space<hbm>> -> memref<1000000x64xf32, #tpu.memory_space<hbm>>
        tpu.enqueue_indirect_dma source(%dma_start3A_282 : memref<1000000x64xf32, #tpu.memory_space<hbm>>) target(%dma_start3A_276 : memref<50x64xf32, #tpu.memory_space<vmem>>) offsets(%dma_start3A_279 : memref<50xi32, #tpu.memory_space<vmem>>) semaphore(%arg8 : memref<!tpu.dma_semaphore, #tpu.memory_space<semaphore_mem>>)
        %mul3A_283 = arith.constant 8 : i32
        %mul3A_284 = arith.muli %add3A_252, %mul3A_283 : i32
        %add3A_285 = arith.constant 2 : i32
        %add3A_286 = arith.addi %mul3A_284, %add3A_285 : i32
        %dma_start3A_287 = arith.constant 2 : i32
        %dma_start3A_288 = arith.constant 0 : i32
        %dma_start3A_289 = arith.constant 0 : i32
        %dma_start3A_290 = tpu.memref_slice %arg6[%dma_start3A_287, %dma_start3A_288, %dma_start3A_289] : memref<8x50x64xf32, #tpu.memory_space<vmem>> -> memref<1x50x64xf32, #tpu.memory_space<vmem>>
        %dma_start3A_291 = tpu.memref_squeeze %dma_start3A_290 : memref<1x50x64xf32, #tpu.memory_space<vmem>> -> memref<50x64xf32, #tpu.memory_space<vmem>>
        %dma_start3A_292 = arith.constant 0 : i32
        %dma_start3A_293 = tpu.memref_slice %arg5[%add3A_286, %dma_start3A_292] : memref<512x50xi32, #tpu.memory_space<vmem>> -> memref<1x50xi32, #tpu.memory_space<vmem>>
        %dma_start3A_294 = tpu.memref_squeeze %dma_start3A_293 : memref<1x50xi32, #tpu.memory_space<vmem>> -> memref<50xi32, #tpu.memory_space<vmem>>
        %dma_start3A_295 = arith.constant 0 : i32
        %dma_start3A_296 = arith.constant 0 : i32
        %dma_start3A_297 = tpu.memref_slice %arg3[%dma_start3A_295, %dma_start3A_296] : memref<1000000x64xf32, #tpu.memory_space<hbm>> -> memref<1000000x64xf32, #tpu.memory_space<hbm>>
        tpu.enqueue_indirect_dma source(%dma_start3A_297 : memref<1000000x64xf32, #tpu.memory_space<hbm>>) target(%dma_start3A_291 : memref<50x64xf32, #tpu.memory_space<vmem>>) offsets(%dma_start3A_294 : memref<50xi32, #tpu.memory_space<vmem>>) semaphore(%arg8 : memref<!tpu.dma_semaphore, #tpu.memory_space<semaphore_mem>>)
        %mul3A_298 = arith.constant 8 : i32
        %mul3A_299 = arith.muli %add3A_252, %mul3A_298 : i32
        %add3A_300 = arith.constant 3 : i32
        %add3A_301 = arith.addi %mul3A_299, %add3A_300 : i32
        %dma_start3A_302 = arith.constant 3 : i32
        %dma_start3A_303 = arith.constant 0 : i32
        %dma_start3A_304 = arith.constant 0 : i32
        %dma_start3A_305 = tpu.memref_slice %arg6[%dma_start3A_302, %dma_start3A_303, %dma_start3A_304] : memref<8x50x64xf32, #tpu.memory_space<vmem>> -> memref<1x50x64xf32, #tpu.memory_space<vmem>>
        %dma_start3A_306 = tpu.memref_squeeze %dma_start3A_305 : memref<1x50x64xf32, #tpu.memory_space<vmem>> -> memref<50x64xf32, #tpu.memory_space<vmem>>
        %dma_start3A_307 = arith.constant 0 : i32
        %dma_start3A_308 = tpu.memref_slice %arg5[%add3A_301, %dma_start3A_307] : memref<512x50xi32, #tpu.memory_space<vmem>> -> memref<1x50xi32, #tpu.memory_space<vmem>>
        %dma_start3A_309 = tpu.memref_squeeze %dma_start3A_308 : memref<1x50xi32, #tpu.memory_space<vmem>> -> memref<50xi32, #tpu.memory_space<vmem>>
        %dma_start3A_310 = arith.constant 0 : i32
        %dma_start3A_311 = arith.constant 0 : i32
        %dma_start3A_312 = tpu.memref_slice %arg3[%dma_start3A_310, %dma_start3A_311] : memref<1000000x64xf32, #tpu.memory_space<hbm>> -> memref<1000000x64xf32, #tpu.memory_space<hbm>>
        tpu.enqueue_indirect_dma source(%dma_start3A_312 : memref<1000000x64xf32, #tpu.memory_space<hbm>>) target(%dma_start3A_306 : memref<50x64xf32, #tpu.memory_space<vmem>>) offsets(%dma_start3A_309 : memref<50xi32, #tpu.memory_space<vmem>>) semaphore(%arg8 : memref<!tpu.dma_semaphore, #tpu.memory_space<semaphore_mem>>)
        %mul3A_313 = arith.constant 8 : i32
        %mul3A_314 = arith.muli %add3A_252, %mul3A_313 : i32
        %add3A_315 = arith.constant 4 : i32
        %add3A_316 = arith.addi %mul3A_314, %add3A_315 : i32
        %dma_start3A_317 = arith.constant 4 : i32
        %dma_start3A_318 = arith.constant 0 : i32
        %dma_start3A_319 = arith.constant 0 : i32
        %dma_start3A_320 = tpu.memref_slice %arg6[%dma_start3A_317, %dma_start3A_318, %dma_start3A_319] : memref<8x50x64xf32, #tpu.memory_space<vmem>> -> memref<1x50x64xf32, #tpu.memory_space<vmem>>
        %dma_start3A_321 = tpu.memref_squeeze %dma_start3A_320 : memref<1x50x64xf32, #tpu.memory_space<vmem>> -> memref<50x64xf32, #tpu.memory_space<vmem>>
        %dma_start3A_322 = arith.constant 0 : i32
        %dma_start3A_323 = tpu.memref_slice %arg5[%add3A_316, %dma_start3A_322] : memref<512x50xi32, #tpu.memory_space<vmem>> -> memref<1x50xi32, #tpu.memory_space<vmem>>
        %dma_start3A_324 = tpu.memref_squeeze %dma_start3A_323 : memref<1x50xi32, #tpu.memory_space<vmem>> -> memref<50xi32, #tpu.memory_space<vmem>>
        %dma_start3A_325 = arith.constant 0 : i32
        %dma_start3A_326 = arith.constant 0 : i32
        %dma_start3A_327 = tpu.memref_slice %arg3[%dma_start3A_325, %dma_start3A_326] : memref<1000000x64xf32, #tpu.memory_space<hbm>> -> memref<1000000x64xf32, #tpu.memory_space<hbm>>
        tpu.enqueue_indirect_dma source(%dma_start3A_327 : memref<1000000x64xf32, #tpu.memory_space<hbm>>) target(%dma_start3A_321 : memref<50x64xf32, #tpu.memory_space<vmem>>) offsets(%dma_start3A_324 : memref<50xi32, #tpu.memory_space<vmem>>) semaphore(%arg8 : memref<!tpu.dma_semaphore, #tpu.memory_space<semaphore_mem>>)
        %mul3A_328 = arith.constant 8 : i32
        %mul3A_329 = arith.muli %add3A_252, %mul3A_328 : i32
        %add3A_330 = arith.constant 5 : i32
        %add3A_331 = arith.addi %mul3A_329, %add3A_330 : i32
        %dma_start3A_332 = arith.constant 5 : i32
        %dma_start3A_333 = arith.constant 0 : i32
        %dma_start3A_334 = arith.constant 0 : i32
        %dma_start3A_335 = tpu.memref_slice %arg6[%dma_start3A_332, %dma_start3A_333, %dma_start3A_334] : memref<8x50x64xf32, #tpu.memory_space<vmem>> -> memref<1x50x64xf32, #tpu.memory_space<vmem>>
        %dma_start3A_336 = tpu.memref_squeeze %dma_start3A_335 : memref<1x50x64xf32, #tpu.memory_space<vmem>> -> memref<50x64xf32, #tpu.memory_space<vmem>>
        %dma_start3A_337 = arith.constant 0 : i32
        %dma_start3A_338 = tpu.memref_slice %arg5[%add3A_331, %dma_start3A_337] : memref<512x50xi32, #tpu.memory_space<vmem>> -> memref<1x50xi32, #tpu.memory_space<vmem>>
        %dma_start3A_339 = tpu.memref_squeeze %dma_start3A_338 : memref<1x50xi32, #tpu.memory_space<vmem>> -> memref<50xi32, #tpu.memory_space<vmem>>
        %dma_start3A_340 = arith.constant 0 : i32
        %dma_start3A_341 = arith.constant 0 : i32
        %dma_start3A_342 = tpu.memref_slice %arg3[%dma_start3A_340, %dma_start3A_341] : memref<1000000x64xf32, #tpu.memory_space<hbm>> -> memref<1000000x64xf32, #tpu.memory_space<hbm>>
        tpu.enqueue_indirect_dma source(%dma_start3A_342 : memref<1000000x64xf32, #tpu.memory_space<hbm>>) target(%dma_start3A_336 : memref<50x64xf32, #tpu.memory_space<vmem>>) offsets(%dma_start3A_339 : memref<50xi32, #tpu.memory_space<vmem>>) semaphore(%arg8 : memref<!tpu.dma_semaphore, #tpu.memory_space<semaphore_mem>>)
        %mul3A_343 = arith.constant 8 : i32
        %mul3A_344 = arith.muli %add3A_252, %mul3A_343 : i32
        %add3A_345 = arith.constant 6 : i32
        %add3A_346 = arith.addi %mul3A_344, %add3A_345 : i32
        %dma_start3A_347 = arith.constant 6 : i32
        %dma_start3A_348 = arith.constant 0 : i32
        %dma_start3A_349 = arith.constant 0 : i32
        %dma_start3A_350 = tpu.memref_slice %arg6[%dma_start3A_347, %dma_start3A_348, %dma_start3A_349] : memref<8x50x64xf32, #tpu.memory_space<vmem>> -> memref<1x50x64xf32, #tpu.memory_space<vmem>>
        %dma_start3A_351 = tpu.memref_squeeze %dma_start3A_350 : memref<1x50x64xf32, #tpu.memory_space<vmem>> -> memref<50x64xf32, #tpu.memory_space<vmem>>
        %dma_start3A_352 = arith.constant 0 : i32
        %dma_start3A_353 = tpu.memref_slice %arg5[%add3A_346, %dma_start3A_352] : memref<512x50xi32, #tpu.memory_space<vmem>> -> memref<1x50xi32, #tpu.memory_space<vmem>>
        %dma_start3A_354 = tpu.memref_squeeze %dma_start3A_353 : memref<1x50xi32, #tpu.memory_space<vmem>> -> memref<50xi32, #tpu.memory_space<vmem>>
        %dma_start3A_355 = arith.constant 0 : i32
        %dma_start3A_356 = arith.constant 0 : i32
        %dma_start3A_357 = tpu.memref_slice %arg3[%dma_start3A_355, %dma_start3A_356] : memref<1000000x64xf32, #tpu.memory_space<hbm>> -> memref<1000000x64xf32, #tpu.memory_space<hbm>>
        tpu.enqueue_indirect_dma source(%dma_start3A_357 : memref<1000000x64xf32, #tpu.memory_space<hbm>>) target(%dma_start3A_351 : memref<50x64xf32, #tpu.memory_space<vmem>>) offsets(%dma_start3A_354 : memref<50xi32, #tpu.memory_space<vmem>>) semaphore(%arg8 : memref<!tpu.dma_semaphore, #tpu.memory_space<semaphore_mem>>)
        %mul3A_358 = arith.constant 8 : i32
        %mul3A_359 = arith.muli %add3A_252, %mul3A_358 : i32
        %add3A_360 = arith.constant 7 : i32
        %add3A_361 = arith.addi %mul3A_359, %add3A_360 : i32
        %dma_start3A_362 = arith.constant 7 : i32
        %dma_start3A_363 = arith.constant 0 : i32
        %dma_start3A_364 = arith.constant 0 : i32
        %dma_start3A_365 = tpu.memref_slice %arg6[%dma_start3A_362, %dma_start3A_363, %dma_start3A_364] : memref<8x50x64xf32, #tpu.memory_space<vmem>> -> memref<1x50x64xf32, #tpu.memory_space<vmem>>
        %dma_start3A_366 = tpu.memref_squeeze %dma_start3A_365 : memref<1x50x64xf32, #tpu.memory_space<vmem>> -> memref<50x64xf32, #tpu.memory_space<vmem>>
        %dma_start3A_367 = arith.constant 0 : i32
        %dma_start3A_368 = tpu.memref_slice %arg5[%add3A_361, %dma_start3A_367] : memref<512x50xi32, #tpu.memory_space<vmem>> -> memref<1x50xi32, #tpu.memory_space<vmem>>
        %dma_start3A_369 = tpu.memref_squeeze %dma_start3A_368 : memref<1x50xi32, #tpu.memory_space<vmem>> -> memref<50xi32, #tpu.memory_space<vmem>>
        %dma_start3A_370 = arith.constant 0 : i32
        %dma_start3A_371 = arith.constant 0 : i32
        %dma_start3A_372 = tpu.memref_slice %arg3[%dma_start3A_370, %dma_start3A_371] : memref<1000000x64xf32, #tpu.memory_space<hbm>> -> memref<1000000x64xf32, #tpu.memory_space<hbm>>
        tpu.enqueue_indirect_dma source(%dma_start3A_372 : memref<1000000x64xf32, #tpu.memory_space<hbm>>) target(%dma_start3A_366 : memref<50x64xf32, #tpu.memory_space<vmem>>) offsets(%dma_start3A_369 : memref<50xi32, #tpu.memory_space<vmem>>) semaphore(%arg8 : memref<!tpu.dma_semaphore, #tpu.memory_space<semaphore_mem>>)
      } else {
      }
      %mul3A_242 = arith.constant 8 : i32
      %mul3A_243 = arith.muli %add3A_109, %mul3A_242 : i32
      %add3A_244 = arith.addi %mul3A_2, %mul3A_243 : i32
      %dma_wait3A_245 = arith.constant 0 : i32
      %dma_wait3A_246 = arith.constant 0 : i32
      %dma_wait3A_247 = tpu.memref_slice %arg4[%add3A_244, %dma_wait3A_245, %dma_wait3A_246] : memref<16384x56x128xf32, #tpu.memory_space<hbm>> -> memref<8x50x64xf32, #tpu.memory_space<hbm>>
      %dma_wait3A_248 = arith.constant 0 : i32
      %dma_wait3A_249 = arith.constant 0 : i32
      %dma_wait3A_250 = tpu.memref_slice %arg4[%add3A_244, %dma_wait3A_248, %dma_wait3A_249] : memref<16384x56x128xf32, #tpu.memory_space<hbm>> -> memref<8x50x64xf32, #tpu.memory_space<hbm>>
      tpu.wait_dma2 semaphore(%arg9 : memref<!tpu.dma_semaphore, #tpu.memory_space<semaphore_mem>>) src(%dma_wait3A_250 : memref<8x50x64xf32, #tpu.memory_space<hbm>>) dst(%arg7 : memref<8x50x64xf32, #tpu.memory_space<vmem>>)
      "tpu.region"() ({
        %run_scoped3A = tpu.sem_alloc : memref<!tpu.dma_semaphore, #tpu.memory_space<semaphore_mem>>
        %dma_start3A_251 = arith.constant 0 : i32
        %dma_start3A_252 = arith.constant 0 : i32
        %dma_start3A_253 = tpu.memref_slice %arg4[%add3A_244, %dma_start3A_251, %dma_start3A_252] : memref<16384x56x128xf32, #tpu.memory_space<hbm>> -> memref<8x50x64xf32, #tpu.memory_space<hbm>>
        %dma_start3A_254 = arith.constant 0 : i32
        %dma_start3A_255 = arith.constant 0 : i32
        %dma_start3A_256 = tpu.memref_slice %arg4[%add3A_244, %dma_start3A_254, %dma_start3A_255] : memref<16384x56x128xf32, #tpu.memory_space<hbm>> -> memref<8x50x64xf32, #tpu.memory_space<hbm>>
        tpu.enqueue_dma source(%arg7 : memref<8x50x64xf32, #tpu.memory_space<vmem>>) target(%dma_start3A_256 : memref<8x50x64xf32, #tpu.memory_space<hbm>>) target_semaphore(%run_scoped3A : memref<!tpu.dma_semaphore, #tpu.memory_space<semaphore_mem>>)
        %dma_wait3A_257 = arith.constant 0 : i32
        %dma_wait3A_258 = arith.constant 0 : i32
        %dma_wait3A_259 = tpu.memref_slice %arg4[%add3A_244, %dma_wait3A_257, %dma_wait3A_258] : memref<16384x56x128xf32, #tpu.memory_space<hbm>> -> memref<8x50x64xf32, #tpu.memory_space<hbm>>
        %dma_wait3A_260 = arith.constant 0 : i32
        %dma_wait3A_261 = arith.constant 0 : i32
        %dma_wait3A_262 = tpu.memref_slice %arg4[%add3A_244, %dma_wait3A_260, %dma_wait3A_261] : memref<16384x56x128xf32, #tpu.memory_space<hbm>> -> memref<8x50x64xf32, #tpu.memory_space<hbm>>
        tpu.wait_dma2 semaphore(%run_scoped3A : memref<!tpu.dma_semaphore, #tpu.memory_space<semaphore_mem>>) src(%arg7 : memref<8x50x64xf32, #tpu.memory_space<vmem>>) dst(%dma_wait3A_262 : memref<8x50x64xf32, #tpu.memory_space<hbm>>)
        tpu.yield
      }) : () -> ()
    }
    %scan3A_102 = arith.constant 32 : i32
    return
  }
}

</mosaic_0001>

<sc_bundles>
// kernel: kernel.3.cloned.1.call-start
scs
__scs_entry_jumppad:
0x0: {  	(pc) =	sbr.rel $0x88, $3  }
0x1: {  	(tag) =	ssettag $0x0;
	lr =	simm.s32 $0x1  }
0x2: {  	[smem:$0x3F9F] =	sst lr;
	_ =	strace $0xD0000000  }
0x3: {  	_ = 	snop  }
0x4: {  	_ = 	snop  }
0x5: {  	_ = 	snop  }
0x6: {  	_ = 	snop  }
0x7: {  	_ = 	snop  }
__scs_overlays_trampoline_lowered:
0x8: {  	[smem:$0x3FAE] =	sst s0  }
0x9: {  	[smem:$0x3FAF] =	sst s1  }
0xa: {  	[smem:$0x3FB0] =	sst s2  }
0xb: {  	[smem:$0x3FB1] =	sst s3  }
0xc: {  	[smem:$0x3FB2] =	sst s4  }
0xd: {  	[smem:$0x3FB3] =	sst s5  }
0xe: {  	[smem:$0x3FB4] =	sst s6  }
0xf: {  	[smem:$0x3FB5] =	sst s7  }
0x10: {  	[smem:$0x3FB6] =	sst s8  }
0x11: {  	[smem:$0x3FB7] =	sst s9;
	s0 =	simm.s32 @!p0 $0x0  }
0x12: {  	s1 =	sld [smem:$0x3F9D];
	s0 =	simm.s32 @p0 $0x1  }
0x13: {  	[smem:$0x3FB8] =	sst s0;
	s0 =	simm.s32 @!p1 $0x0  }
0x14: {  	s2 =	sld [smem:$0x3F9C];
	s0 =	simm.s32 @p1 $0x1  }
0x15: {  	[smem:$0x3FB9] =	sst s0;
	s0 =	simm.s32 @!p2 $0x0  }
0x16: {  	s3 =	sld [smem:$0x3FDB];
	s0 =	simm.s32 @p2 $0x1  }
0x17: {  	s4 =	simm.s32 $0x1BF5;
	[smem:$0x3FBB] =	sst s0  }
0x18: {  	s0 =	sld [smem:$0x3F9E];
	_ =	swait.ge [sflag:s4], $0x0  }
0x19: {  	s7 =	sld [smem:$0x3F9F]  }
0x1a: {  	s8 =	sadd.s32 $0xFFFFE003, lr  }
0x1b: {  	s9 =	sadd.s32 $0xFFFFFEF7, lr;
	s5 =	simm.s32 $0xFFFFFFFF;
	p2 =	slt.u32 s8, $0xFFFFF086  }
0x1c: {  	p1 =	slt.u32 s9, $0xF7A;
	s5 =	simm.s32 @!p2 $0x0  }
0x1d: {  	s5 =	simm.s32 @p1 $0x1;
	p0 =	seq.s32 s7, s2  }
0x1e: {  	s7 =	smul.u32 @!p0 $0xF7A, s2;
	p2 =	seq.s32 @!p0 s5, $0x0  }
0x1f: {  	s9 =	smul.u32 $0xF7A, s1;
	s8 =	simm.s32 @!p0 $0x1BF5;
	p2 =	por !p2, p0  }
0x20: {  	[sflag:s8] =	ssyncset.s32 @!p0 $0xFFFFF086;
	s6 =	sadd.s32 @!p0 s3, s7;
	s7 =	simm.s32 @!p0 $0x108  }
0x21: {  	s3 =	sadd.s32 s3, s9;
	s6 =	sadd.s32 @!p0 $0x88, s6;
	s7 =	simm.s32 @p2 $0x1082  }
0x22: {  	[simem:s7], [sflag:s8] =	dma.local @!p0 [hbm:s6], $0xF7A  }
0x23: {  	s9 =	sor.u32 $0xD0000000, s2;
	s6 =	simm.s32 $0x108;
	_ =	swait.ge @!p0 [sflag:s8], $0x0  }
0x24: {  	s3 =	sadd.s32 $0x88, s3;
	s6 =	simm.s32 @!p1 $0x1082;
	[sflag:s4] =	ssyncset.s32 $0xFFFFF086  }
0x25: {  	[simem:s6], [sflag:s4] =	dma.local [hbm:s3], $0xF7A  }
0x26: {  	[smem:$0x3F9F] =	sst s1;
	(tag) =	ssettag s2;
	_ =	strace s9  }
0x27: {  	s1 =	sld [smem:$0x3FAF]  }
0x28: {  	s2 =	sld [smem:$0x3FB0]  }
0x29: {  	s4 =	sld [smem:$0x3FB2]  }
0x2a: {  	p0 =	seq.s32 s5, $0x0;
	s5 =	sld [smem:$0x3FB3]  }
0x2b: {  	s6 =	sld [smem:$0x3FB4]  }
0x2c: {  	s7 =	sld [smem:$0x3FB5]  }
0x2d: {  	s3 =	simm.s32 $0x108;
	s8 =	sld [smem:$0x3FB6]  }
0x2e: {  	s3 =	simm.s32 @!p0 $0x1082;
	s9 =	sld [smem:$0x3FB7]  }
0x2f: {  	lr =	sadd.s32 s0, s3;
	s0 =	sld [smem:$0x3FAE]  }
0x30: {  	s3 =	sld [smem:$0x3FB1]  }
0x31: {  	[smem:$0x3FBA] =	sst s10  }
0x32: {  	s10 =	sld [smem:$0x3FB8];
	_ =	sdelay $0x3  }
0x33: {  	p0 =	seq.s32 s10, $0x1;
	s10 =	sld [smem:$0x3FBA];
	_ =	sdelay $0x3  }
0x34: {  	[smem:$0x3FBA] =	sst s10  }
0x35: {  	s10 =	sld [smem:$0x3FB9];
	_ =	sdelay $0x3  }
0x36: {  	p1 =	seq.s32 s10, $0x1;
	s10 =	sld [smem:$0x3FBA];
	_ =	sdelay $0x3  }
0x37: {  	[smem:$0x3FBA] =	sst s10  }
0x38: {  	s10 =	sld [smem:$0x3FBB]  }
0x39: {  	_ = 	snop;
	(pc) =	sbr.ind lr, $3  }
0x3a: {  	_ = 	snop  }
0x3b: {  	_ = 	snop  }
0x3c: {  	p2 =	seq.s32 s10, $0x1;
	s10 =	sld [smem:$0x3FBA]  }
0x3d: {  	_ =	shalt  }
0x3e: {  	_ =	shalt  }
0x3f: {  	_ =	shalt  }
0x40: {  	_ =	shalt  }
0x41: {  	_ =	shalt  }
0x42: {  	_ =	shalt  }
0x43: {  	_ =	shalt  }
0x44: {  	_ =	shalt  }
0x45: {  	_ =	shalt  }
0x46: {  	_ =	shalt  }
0x47: {  	_ =	shalt  }
0x48: {  	_ =	shalt  }
0x49: {  	_ =	shalt  }
0x4a: {  	_ =	shalt  }
0x4b: {  	_ =	shalt  }
0x4c: {  	_ =	shalt  }
0x4d: {  	_ =	shalt  }
0x4e: {  	_ =	shalt  }
0x4f: {  	_ =	shalt  }
0x50: {  	_ =	shalt  }
0x51: {  	_ =	shalt  }
0x52: {  	_ =	shalt  }
0x53: {  	_ =	shalt  }
0x54: {  	_ =	shalt  }
0x55: {  	_ =	shalt  }
0x56: {  	_ =	shalt  }
0x57: {  	_ =	shalt  }
0x58: {  	_ =	shalt  }
0x59: {  	_ =	shalt  }
0x5a: {  	_ =	shalt  }
0x5b: {  	_ =	shalt  }
0x5c: {  	_ =	shalt  }
0x5d: {  	_ =	shalt  }
0x5e: {  	_ =	shalt  }
0x5f: {  	_ =	shalt  }
0x60: {  	_ =	shalt  }
0x61: {  	_ =	shalt  }
0x62: {  	_ =	shalt  }
0x63: {  	_ =	shalt  }
0x64: {  	_ =	shalt  }
0x65: {  	_ =	shalt  }
0x66: {  	_ =	shalt  }
0x67: {  	_ =	shalt  }
0x68: {  	_ =	shalt  }
0x69: {  	_ =	shalt  }
0x6a: {  	_ =	shalt  }
0x6b: {  	_ =	shalt  }
0x6c: {  	_ =	shalt  }
0x6d: {  	_ =	shalt  }
0x6e: {  	_ =	shalt  }
0x6f: {  	_ =	shalt  }
0x70: {  	_ =	shalt  }
0x71: {  	_ =	shalt  }
0x72: {  	_ =	shalt  }
0x73: {  	_ =	shalt  }
0x74: {  	_ =	shalt  }
0x75: {  	_ =	shalt  }
0x76: {  	_ =	shalt  }
0x77: {  	_ =	shalt  }
0x78: {  	_ =	shalt  }
0x79: {  	_ =	shalt  }
0x7a: {  	_ =	shalt  }
0x7b: {  	_ =	shalt  }
0x7c: {  	_ =	shalt  }
0x7d: {  	_ =	shalt  }
0x7e: {  	_ =	shalt  }
0x7f: {  	_ =	shalt  }
0x80: {  	_ =	shalt  }
0x81: {  	_ =	shalt  }
0x82: {  	_ =	shalt  }
0x83: {  	_ =	shalt  }
0x84: {  	_ =	shalt  }
0x85: {  	_ =	shalt  }
0x86: {  	_ =	shalt  }
0x87: {  	_ =	shalt  }
.Lfunc_end0:
.L_simem_size_0:
called_computation.1_lowered:
.L_overlay_start_0:
0x88: {  	s2 =	sld [smem:$0x3FD9]  }
0x89: {  	s3 =	sld [smem:$0x3FFE];
	_ =	sdelay $0x1  }
0x8a: {  	s1 =	srdreg.scid  }
0x8b: {  	s0 =	sand.u32 $0x1, s1  }
0x8c: {  	s17 =	sshll.u32 s0, $0xA;
	s2 =	sadd.s32 s3, s2  }
0x8d: {  	s2 =	sadd.s32 s2, s17  }
0x8e: {  	[smem:$0x3FC6] =	sst s2  }
0x8f: {  	_ = 	snop  }
0x90: {  	s2 =	sld [smem:$0x3FD0];
	(tm) =	ssettm $0x1  }
0x91: {  	s18 =	sld [smem:$0x3FFB];
	_ =	sdelay $0x3  }
0x92: {  	_ =	strace s18  }
0x93: {  	s3 =	sld [smem:$0x3FFC];
	_ =	sdelay $0x3  }
0x94: {  	_ =	strace s3  }
0x95: {  	s3 =	sld [smem:$0x3FFD];
	_ =	sdelay $0x3  }
0x96: {  	_ =	strace s3  }
0x97: {  	_ =	strace $0x8FFFFFFF  }
0x98: {  	s19 =	sld [smem:$0x3FDB];
	_ =	sdelay $0x1  }
0x99: {  	s4 =	simm.s32 $_scs_section_size  }
0x9a: {  	s5 =	simm.s32 $_size__tile_overlayer_lowered;
	s6 =	simm.s32 $_tile_overlayer_lowered  }
0x9b: {  	s22 =	simm.s32 $0x1BFF;
	s21 =	sshll.u32 s6, $0x1;
	s3 =	sadd.s32 s4, s19  }
0x9c: {  	s7 =	simm.s32 $0x0;
	s20 =	sshll.u32 s5, $0x1;
	s5 =	sadd.s32 s21, s3  }
0x9d: {  	[timem:s7], [sflag:s22] =	dma.local [hbm:s5], s20  }
0x9e: {  	_ =	swait.ge [sflag:s22], s20  }
0x9f: {  	s4 =	ssub.s32 $0x0, s20;
	[sflag:s22] =	ssyncset.done $0x0  }
0xa0: {  	[sflag:s22] =	ssyncadd.s32 s4;
	_ =	sdelay $0x1  }
0xa1: {  	s23 =	simm.s32 $0x1B8B  }
0xa2: {  	_ =	swait.ge [sflag:s23], $0x1  }
0xa3: {  	[sflag:s23] =	ssyncset.done $0x0  }
0xa4: {  	s25 =	simm.s32 $0x1B8E;
	s24 =	sld [smem:$0x3FFE];
	[sflag:s23] =	ssyncadd.s32 $0xFFFFFFFF  }
0xa5: {  	s26 =	simm.s32 $execute0_lowered;
	[smem:$0x3FD2] =	sst s25  }
0xa6: {  	s5 =	sshll.u32 s26, $0x1;
	_ =	strace $0x80000046;
	[dreg:$0x1] =	wrdreg $0xFFFFFFFF  }
0xa7: {  	s28 =	simm.s32 $_size_execute0_lowered;
	s3 =	sadd.s32 s3, s5;
	[dreg:$0x0] =	wrdreg $0x0  }
0xa8: {  	s5 =	sshll.u32 s28, $0x1;
	[dreg:$0x2] =	wrdreg s3  }
0xa9: {  	[dreg:$0x3] =	wrdreg s5  }
0xaa: {  	[dreg:$0x4] =	wrdreg $0xC0  }
0xab: {  	_ =	task [dreg:s7], $0x5FFFF  }
0xac: {  	[dreg:$0x1] =	wrdreg $0xFFFFFFFF  }
0xad: {  	[dreg:$0x0] =	wrdreg $0x60  }
0xae: {  	[dreg:$0x2] =	wrdreg s2  }
0xaf: {  	[dreg:$0x3] =	wrdreg s24  }
0xb0: {  	[dreg:$0x4] =	wrdreg $0x9  }
0xb1: {  	_ =	task.clear_ibuf [dreg:s7], $0x5FFFF;
	_ =	strace $0x90000046  }
0xb2: {  	s29 =	simm.s32 $0x9;
	_ =	strace $0x80000048  }
0xb3: {  	_ =	swait.ge [sflag:s29], $0x1  }
0xb4: {  	[sflag:s29] =	ssyncadd.s32 $0xFFFFFFFF  }
0xb5: {  	_ =	strace $0x90000048  }
0xb6: {  	_ =	sfence  }
0xb7: {  	s30 =	sld [smem:$0x0];
	_ =	sdelay $0x2  }
0xb8: {  	s31 =	sshll.u32 s1, $0xD;
	s1 =	sshrl.u32 s1, $0x2  }
0xb9: {  	s3 =	sand.u32 $0x4000, s31;
	s1 =	sadd.s32 s1, s30  }
0xba: {  	s0 =	sor.u32 s3, s0;
	s1 =	sshll.u32 s1, $0x11  }
0xbb: {  	s0 =	sor.u32 s1, s0  }
0xbc: {  	s0 =	sadd.s32 $0x8F2B, s0  }
0xbd: {  	[sflag:s0] =	ssyncadd.remote.s32 $0x1  }
0xbe: {  	_ =	sfence.sel $0xFFFF  }
0xbf: {  	[dreg:$0x0] =	wrdreg $0xFFFFFFFF;
	(pc) =	sbr.abs _section_cstart, $3  }
0xc0: {  	[dreg:$0x1] =	wrdreg $0xFFFFFFFF  }
0xc1: {  	_ =	task.clear_ibuf [dreg:s7], $0x2FFFF;
	_ =	strace $0x9FFFFFFF  }
0xc2: {  	(tm) =	ssettm $0x7FFFFFFF  }
0xc3: {  	_ =	shalt  }
tec
execute0_lowered:
.L_overlay_start_1:
0x0: {  	(tag) =	ssettag $0x1  }
0x1: {  	s0 =	rddreg [dreg:$0x0]  }
0x2: {  	s1 =	rddreg [dreg:$0x1]  }
0x3: {  	s2 =	simm.s32 $0x0;
	s22 =	srdreg.scid;
	s4 =	stileid.u32  }
0x4: {  	s8 =	simm.s32 $0x32;
	s28 =	simm.s32 $0xF980;
	s29 =	simm.s32 $0x10600  }
0x5: {  	s30 =	simm.s32 $0x11280;
	s31 =	simm.s32 $0x11F00;
	s10 =	simm.s32 $0x40  }
0x6: {  	s12 =	simm.s32 $0x80;
	s14 =	simm.s32 $0x2;
	s13 =	simm.s32 $0x7000  }
0x7: {  	s15 =	simm.s32 $0x7C80;
	s17 =	simm.s32 $0x8900;
	s19 =	simm.s32 $0x9580  }
0x8: {  	s21 =	simm.s32 $0xA200;
	[smem:$0x7FF] =	sst s2;
	s2 =	sand.u32 $0x1, s22  }
0x9: {  	s3 =	smul.u32 $0xE0000, s4;
	s4 =	sshll.u32 s4, $0xA;
	_ =	strace $0x80000047  }
0xa: {  	s5 =	sshll.u32 s2, $0x9;
	s6 =	ssub.s32 $0x2, s2;
	s2 =	smul.u32 $0x70000, s2  }
0xb: {  	s4 =	sor.u32 s5, s4;
	s23 =	sadd.s32 s3, s1;
	s7 =	sshrl.u32 s6, $0x1  }
0xc: {  	s3 =	sadd.s32 $0xF42E00, s1;
	s1 =	simm.s32 $0x1;
	s4 =	smul.u32 $0x7, s4  }
0xd: {  	s24 =	ssub.s32 s6, s7;
	s2 =	sadd.s32 s2, s23;
	s7 =	simm.s32 $0x3  }
0xe: {  	s23 =	simm.s32 $0xAE80;
	s25 =	smax.u32 s24, $0x1;
	s26 =	sadd.s32 $0xA00, s2  }
0xf: {  	s24 =	simm.s32 $0xD400;
	s0 =	sadd.s32 s0, s4;
	[dreg:$0x4] =	wrdreg s25  }
0x10: {  	[dreg:$0x5] =	wrdreg s26;
	s25 =	simm.s32 $0xE080;
	s26 =	simm.s32 $0xED00  }
0x11: {  	s4 =	simm.s32 $0x0;
	[dreg:$0x3] =	wrdreg s0;
	s0 =	simm.s32 $0x12B80  }
.LBB2_1:
0x12: {  	[dreg:$0x6] =	wrdreg s4  }
0x13: {  	s2 =	simm.s32 $0x0;
	s6 =	rddreg [dreg:$0x3]  }
0x14: {  	[tilespmem:s2], [sflag:$0x3] =	stream.linear.gather [hbm4b:s6+s2], $0x7000, $0x38;
	[tilespmem:$0x13800] =	vst v63  }
0x15: {  	_ =	swait.ge [sflag:s7], $0x7000  }
0x16: {  	[sflag:s7] =	ssyncset.done $0x0  }
0x17: {  	s5 =	simm.s32 $0x7000;
	[sflag:s7] =	ssyncadd.s32 $0xFFFF9000  }
0x18: {  	[tilespmem:s5], [sflag:$0x1] =	stream.indirect.gather [hbm4b:s3+s8], $0x40, s2, s8, $0xb8;
	[tilespmem:$0x13800] =	vst v63  }
0x19: {  	s9 =	simm.s32 $0x38;
	s6 =	simm.s32 $0x7C80  }
0x1a: {  	[tilespmem:s6], [sflag:$0x1] =	stream.indirect.gather [hbm4b:s3+s8], $0x40, s9, s8, $0xb8;
	[tilespmem:$0x13800] =	vst v63  }
0x1b: {  	s11 =	simm.s32 $0x70;
	s9 =	simm.s32 $0x8900  }
0x1c: {  	[tilespmem:s9], [sflag:$0x1] =	stream.indirect.gather [hbm4b:s3+s8], $0x40, s11, s8, $0xb8;
	[tilespmem:$0x13800] =	vst v63  }
0x1d: {  	s16 =	simm.s32 $0xA8;
	s11 =	simm.s32 $0x9580  }
0x1e: {  	[tilespmem:s11], [sflag:$0x1] =	stream.indirect.gather [hbm4b:s3+s8], $0x40, s16, s8, $0xb8;
	[tilespmem:$0x13800] =	vst v63  }
0x1f: {  	s18 =	simm.s32 $0xE0;
	s16 =	simm.s32 $0xA200  }
0x20: {  	[tilespmem:s16], [sflag:$0x1] =	stream.indirect.gather [hbm4b:s3+s8], $0x40, s18, s8, $0xb8;
	[tilespmem:$0x13800] =	vst v63  }
0x21: {  	s20 =	simm.s32 $0x118;
	s18 =	simm.s32 $0xAE80  }
0x22: {  	[tilespmem:s18], [sflag:$0x1] =	stream.indirect.gather [hbm4b:s3+s8], $0x40, s20, s8, $0xb8;
	[tilespmem:$0x13800] =	vst v63  }
0x23: {  	s22 =	simm.s32 $0x150;
	s20 =	simm.s32 $0xBB00  }
0x24: {  	[tilespmem:s20], [sflag:$0x1] =	stream.indirect.gather [hbm4b:s3+s8], $0x40, s22, s8, $0xb8;
	[tilespmem:$0x13800] =	vst v63  }
0x25: {  	s4 =	simm.s32 $0x188;
	s22 =	simm.s32 $0xC780  }
0x26: {  	[tilespmem:s22], [sflag:$0x1] =	stream.indirect.gather [hbm4b:s3+s8], $0x40, s4, s8, $0xb8;
	[tilespmem:$0x13800] =	vst v63  }
0x27: {  	s4 =	simm.s32 $0x1C0  }
0x28: {  	[tilespmem:s24], [sflag:$0x2] =	stream.indirect.gather [hbm4b:s3+s8], $0x40, s4, s8, $0xb8;
	[tilespmem:$0x13800] =	vst v63  }
0x29: {  	s4 =	simm.s32 $0x1F8  }
0x2a: {  	[tilespmem:s25], [sflag:$0x2] =	stream.indirect.gather [hbm4b:s3+s8], $0x40, s4, s8, $0xb8;
	[tilespmem:$0x13800] =	vst v63  }
0x2b: {  	s4 =	simm.s32 $0x230  }
0x2c: {  	[tilespmem:s26], [sflag:$0x2] =	stream.indirect.gather [hbm4b:s3+s8], $0x40, s4, s8, $0xb8;
	[tilespmem:$0x13800] =	vst v63  }
0x2d: {  	s4 =	simm.s32 $0x268  }
0x2e: {  	[tilespmem:s28], [sflag:$0x2] =	stream.indirect.gather [hbm4b:s3+s8], $0x40, s4, s8, $0xb8;
	[tilespmem:$0x13800] =	vst v63  }
0x2f: {  	s4 =	simm.s32 $0x2A0  }
0x30: {  	[tilespmem:s29], [sflag:$0x2] =	stream.indirect.gather [hbm4b:s3+s8], $0x40, s4, s8, $0xb8;
	[tilespmem:$0x13800] =	vst v63  }
0x31: {  	s4 =	simm.s32 $0x2D8  }
0x32: {  	[tilespmem:s30], [sflag:$0x2] =	stream.indirect.gather [hbm4b:s3+s8], $0x40, s4, s8, $0xb8;
	[tilespmem:$0x13800] =	vst v63  }
0x33: {  	s4 =	simm.s32 $0x310  }
0x34: {  	[tilespmem:s31], [sflag:$0x2] =	stream.indirect.gather [hbm4b:s3+s8], $0x40, s4, s8, $0xb8;
	[tilespmem:$0x13800] =	vst v63  }
0x35: {  	s4 =	simm.s32 $0x348  }
0x36: {  	[tilespmem:s0], [sflag:$0x2] =	stream.indirect.gather [hbm4b:s3+s8], $0x40, s4, s8, $0xb8;
	[tilespmem:$0x13800] =	vst v63  }
0x37: {  	_ =	swait.ge [sflag:s1], $0x6400  }
0x38: {  	[sflag:s1] =	ssyncset.done $0x0  }
0x39: {  	s4 =	rddreg [dreg:$0x5];
	[sflag:s1] =	ssyncadd.s32 $0xFFFF9C00  }
0x3a: {  	[hbm4b:s4+s10] =	stream.strided.scatter [tilespmem:s5], [sflag:$0x3], $0xC80, s12, s10, $0x38;
	[tilespmem:$0x13800] =	vst v63  }
0x3b: {  	s5 =	sadd.s32 $0x380, s4  }
0x3c: {  	[hbm4b:s5+s10] =	stream.strided.scatter [tilespmem:s6], [sflag:$0x3], $0xC80, s12, s10, $0x38;
	[tilespmem:$0x13800] =	vst v63  }
0x3d: {  	s6 =	sadd.s32 $0x700, s4  }
0x3e: {  	[hbm4b:s6+s10] =	stream.strided.scatter [tilespmem:s9], [sflag:$0x3], $0xC80, s12, s10, $0x38;
	[tilespmem:$0x13800] =	vst v63  }
0x3f: {  	s9 =	sadd.s32 $0xA80, s4  }
0x40: {  	[hbm4b:s9+s10] =	stream.strided.scatter [tilespmem:s11], [sflag:$0x3], $0xC80, s12, s10, $0x38;
	[tilespmem:$0x13800] =	vst v63  }
0x41: {  	s11 =	sadd.s32 $0xE00, s4  }
0x42: {  	[hbm4b:s11+s10] =	stream.strided.scatter [tilespmem:s16], [sflag:$0x3], $0xC80, s12, s10, $0x38;
	[tilespmem:$0x13800] =	vst v63  }
0x43: {  	s16 =	sadd.s32 $0x1180, s4  }
0x44: {  	[hbm4b:s16+s10] =	stream.strided.scatter [tilespmem:s18], [sflag:$0x3], $0xC80, s12, s10, $0x38;
	[tilespmem:$0x13800] =	vst v63  }
0x45: {  	s18 =	sadd.s32 $0x1500, s4  }
0x46: {  	[hbm4b:s18+s10] =	stream.strided.scatter [tilespmem:s20], [sflag:$0x3], $0xC80, s12, s10, $0x38;
	[tilespmem:$0x13800] =	vst v63  }
0x47: {  	s20 =	sadd.s32 $0x1880, s4  }
0x48: {  	[hbm4b:s20+s10] =	stream.strided.scatter [tilespmem:s22], [sflag:$0x3], $0xC80, s12, s10, $0x38;
	[tilespmem:$0x13800] =	vst v63  }
0x49: {  	p0 =	por $0x0, $0x0;
	_ =	swait.ge [sflag:s7], $0x6400  }
0x4a: {  	s2 =	simm.s32 @!p0 $0x7000;
	[sflag:s7] =	ssyncset.done $0x0  }
0x4b: {  	s18 =	simm.s32 @!p0 $0x380;
	s20 =	simm.s32 @!p0 $0x32;
	[sflag:s7] =	ssyncadd.s32 $0xFFFF9C00  }
0x4c: {  	[tilespmem:s2], [sflag:$0x1] =	stream.indirect.gather @!p0 [hbm4b:s3+s20], $0x40, s18, s20, $0xb8;
	[tilespmem:$0x13800] =	vst v63  }
0x4d: {  	s2 =	simm.s32 @!p0 $0x3B8;
	s18 =	simm.s32 @!p0 $0x7C80  }
0x4e: {  	[tilespmem:s18], [sflag:$0x1] =	stream.indirect.gather @!p0 [hbm4b:s3+s20], $0x40, s2, s20, $0xb8;
	[tilespmem:$0x13800] =	vst v63  }
0x4f: {  	s2 =	simm.s32 @!p0 $0x3F0;
	s18 =	simm.s32 @!p0 $0x8900  }
0x50: {  	[tilespmem:s18], [sflag:$0x1] =	stream.indirect.gather @!p0 [hbm4b:s3+s20], $0x40, s2, s20, $0xb8;
	[tilespmem:$0x13800] =	vst v63  }
0x51: {  	s2 =	simm.s32 @!p0 $0x428;
	s18 =	simm.s32 @!p0 $0x9580  }
0x52: {  	[tilespmem:s18], [sflag:$0x1] =	stream.indirect.gather @!p0 [hbm4b:s3+s20], $0x40, s2, s20, $0xb8;
	[tilespmem:$0x13800] =	vst v63  }
0x53: {  	s2 =	simm.s32 @!p0 $0x460;
	s18 =	simm.s32 @!p0 $0xA200  }
0x54: {  	[tilespmem:s18], [sflag:$0x1] =	stream.indirect.gather @!p0 [hbm4b:s3+s20], $0x40, s2, s20, $0xb8;
	[tilespmem:$0x13800] =	vst v63  }
0x55: {  	s2 =	simm.s32 @!p0 $0x498;
	s18 =	simm.s32 @!p0 $0xAE80  }
0x56: {  	[tilespmem:s18], [sflag:$0x1] =	stream.indirect.gather @!p0 [hbm4b:s3+s20], $0x40, s2, s20, $0xb8;
	[tilespmem:$0x13800] =	vst v63  }
0x57: {  	s2 =	simm.s32 @!p0 $0x4D0;
	s18 =	simm.s32 @!p0 $0xBB00  }
0x58: {  	[tilespmem:s18], [sflag:$0x1] =	stream.indirect.gather @!p0 [hbm4b:s3+s20], $0x40, s2, s20, $0xb8;
	[tilespmem:$0x13800] =	vst v63  }
0x59: {  	s2 =	simm.s32 @!p0 $0x508;
	s18 =	simm.s32 @!p0 $0xC780  }
0x5a: {  	[tilespmem:s18], [sflag:$0x1] =	stream.indirect.gather @!p0 [hbm4b:s3+s20], $0x40, s2, s20, $0xb8;
	[tilespmem:$0x13800] =	vst v63  }
0x5b: {  	_ =	swait.ge [sflag:s14], $0x6400  }
0x5c: {  	[sflag:s14] =	ssyncset.done $0x0  }
0x5d: {  	s5 =	sadd.s32 $0x1C00, s4;
	[sflag:s14] =	ssyncadd.s32 $0xFFFF9C00  }
0x5e: {  	[hbm4b:s5+s10] =	stream.strided.scatter [tilespmem:s24], [sflag:$0x3], $0xC80, s12, s10, $0x38;
	[tilespmem:$0x13800] =	vst v63  }
0x5f: {  	s6 =	sadd.s32 $0x1F80, s4  }
0x60: {  	[hbm4b:s6+s10] =	stream.strided.scatter [tilespmem:s25], [sflag:$0x3], $0xC80, s12, s10, $0x38;
	[tilespmem:$0x13800] =	vst v63  }
0x61: {  	s9 =	sadd.s32 $0x2300, s4  }
0x62: {  	[hbm4b:s9+s10] =	stream.strided.scatter [tilespmem:s26], [sflag:$0x3], $0xC80, s12, s10, $0x38;
	[tilespmem:$0x13800] =	vst v63  }
0x63: {  	s11 =	sadd.s32 $0x2680, s4  }
0x64: {  	[hbm4b:s11+s10] =	stream.strided.scatter [tilespmem:s28], [sflag:$0x3], $0xC80, s12, s10, $0x38;
	[tilespmem:$0x13800] =	vst v63  }
0x65: {  	s16 =	sadd.s32 $0x2A00, s4  }
0x66: {  	[hbm4b:s16+s10] =	stream.strided.scatter [tilespmem:s29], [sflag:$0x3], $0xC80, s12, s10, $0x38;
	[tilespmem:$0x13800] =	vst v63  }
0x67: {  	s18 =	sadd.s32 $0x2D80, s4  }
0x68: {  	[hbm4b:s18+s10] =	stream.strided.scatter [tilespmem:s30], [sflag:$0x3], $0xC80, s12, s10, $0x38;
	[tilespmem:$0x13800] =	vst v63  }
0x69: {  	s20 =	sadd.s32 $0x3100, s4  }
0x6a: {  	[hbm4b:s20+s10] =	stream.strided.scatter [tilespmem:s31], [sflag:$0x3], $0xC80, s12, s10, $0x38;
	[tilespmem:$0x13800] =	vst v63  }
0x6b: {  	s22 =	sadd.s32 $0x3480, s4  }
0x6c: {  	[hbm4b:s22+s10] =	stream.strided.scatter [tilespmem:s0], [sflag:$0x3], $0xC80, s12, s10, $0x38;
	[tilespmem:$0x13800] =	vst v63  }
0x6d: {  	s18 =	sadd.s32 $0x3800, s4;
	_ =	swait.ge [sflag:s7], $0x6400  }
0x6e: {  	s20 =	simm.s32 $0xE00;
	s22 =	simm.s32 $0x1C00;
	[sflag:s7] =	ssyncset.done $0x0  }
.LBB2_2:
0x6f: {  	s4 =	sshra.s32 s20, $0x2  }
0x70: {  	[sflag:s7] =	ssyncadd.s32 $0xFFFF9C00;
	s2 =	smov.u32 s22;
	s22 =	sadd.s32 $0xE00, s22  }
0x71: {  	p0 =	sne.s32 s22, $0x1C000;
	s5 =	sadd.s32 $0x1C0, s4  }
0x72: {  	[tilespmem:s24], [sflag:$0x2] =	stream.indirect.gather [hbm4b:s3+s8], $0x40, s5, s8, $0xb8;
	[tilespmem:$0x13800] =	vst v63  }
0x73: {  	s5 =	sadd.s32 $0x1F8, s4  }
0x74: {  	[tilespmem:s25], [sflag:$0x2] =	stream.indirect.gather [hbm4b:s3+s8], $0x40, s5, s8, $0xb8;
	[tilespmem:$0x13800] =	vst v63  }
0x75: {  	s5 =	sadd.s32 $0x230, s4  }
0x76: {  	[tilespmem:s26], [sflag:$0x2] =	stream.indirect.gather [hbm4b:s3+s8], $0x40, s5, s8, $0xb8;
	[tilespmem:$0x13800] =	vst v63  }
0x77: {  	s5 =	sadd.s32 $0x268, s4  }
0x78: {  	[tilespmem:s28], [sflag:$0x2] =	stream.indirect.gather [hbm4b:s3+s8], $0x40, s5, s8, $0xb8;
	[tilespmem:$0x13800] =	vst v63  }
0x79: {  	s5 =	sadd.s32 $0x2A0, s4  }
0x7a: {  	[tilespmem:s29], [sflag:$0x2] =	stream.indirect.gather [hbm4b:s3+s8], $0x40, s5, s8, $0xb8;
	[tilespmem:$0x13800] =	vst v63  }
0x7b: {  	s5 =	sadd.s32 $0x2D8, s4  }
0x7c: {  	[tilespmem:s30], [sflag:$0x2] =	stream.indirect.gather [hbm4b:s3+s8], $0x40, s5, s8, $0xb8;
	[tilespmem:$0x13800] =	vst v63  }
0x7d: {  	s5 =	sadd.s32 $0x310, s4  }
0x7e: {  	[tilespmem:s31], [sflag:$0x2] =	stream.indirect.gather [hbm4b:s3+s8], $0x40, s5, s8, $0xb8;
	[tilespmem:$0x13800] =	vst v63  }
0x7f: {  	s4 =	sadd.s32 $0x348, s4  }
0x80: {  	[tilespmem:s0], [sflag:$0x2] =	stream.indirect.gather [hbm4b:s3+s8], $0x40, s4, s8, $0xb8;
	[tilespmem:$0x13800] =	vst v63  }
0x81: {  	_ =	swait.ge [sflag:s1], $0x6400  }
0x82: {  	[sflag:s1] =	ssyncset.done $0x0  }
0x83: {  	[sflag:s1] =	ssyncadd.s32 $0xFFFF9C00  }
0x84: {  	[hbm4b:s18+s10] =	stream.strided.scatter [tilespmem:s13], [sflag:$0x3], $0xC80, s12, s10, $0x38;
	[tilespmem:$0x13800] =	vst v63  }
0x85: {  	s4 =	sadd.s32 $0x380, s18  }
0x86: {  	[hbm4b:s4+s10] =	stream.strided.scatter [tilespmem:s15], [sflag:$0x3], $0xC80, s12, s10, $0x38;
	[tilespmem:$0x13800] =	vst v63  }
0x87: {  	s4 =	sadd.s32 $0x700, s18  }
0x88: {  	[hbm4b:s4+s10] =	stream.strided.scatter [tilespmem:s17], [sflag:$0x3], $0xC80, s12, s10, $0x38;
	[tilespmem:$0x13800] =	vst v63  }
0x89: {  	s4 =	sadd.s32 $0xA80, s18  }
0x8a: {  	[hbm4b:s4+s10] =	stream.strided.scatter [tilespmem:s19], [sflag:$0x3], $0xC80, s12, s10, $0x38;
	[tilespmem:$0x13800] =	vst v63  }
0x8b: {  	s4 =	sadd.s32 $0xE00, s18  }
0x8c: {  	[hbm4b:s4+s10] =	stream.strided.scatter [tilespmem:s21], [sflag:$0x3], $0xC80, s12, s10, $0x38;
	[tilespmem:$0x13800] =	vst v63  }
0x8d: {  	s4 =	sadd.s32 $0x1180, s18  }
0x8e: {  	[hbm4b:s4+s10] =	stream.strided.scatter [tilespmem:s23], [sflag:$0x3], $0xC80, s12, s10, $0x38;
	[tilespmem:$0x13800] =	vst v63  }
0x8f: {  	s5 =	simm.s32 $0xBB00;
	s4 =	sadd.s32 $0x1500, s18  }
0x90: {  	[hbm4b:s4+s10] =	stream.strided.scatter [tilespmem:s5], [sflag:$0x3], $0xC80, s12, s10, $0x38;
	[tilespmem:$0x13800] =	vst v63  }
0x91: {  	s4 =	sadd.s32 $0x1880, s18;
	s5 =	simm.s32 $0xC780  }
0x92: {  	[hbm4b:s4+s10] =	stream.strided.scatter [tilespmem:s5], [sflag:$0x3], $0xC80, s12, s10, $0x38;
	[tilespmem:$0x13800] =	vst v63  }
0x93: {  	p1 =	seq.s32 s20, $0x1B200;
	_ =	swait.ge [sflag:s7], $0x6400  }
0x94: {  	s4 =	sshra.s32 @!p1 s20, $0x2;
	s5 =	simm.s32 @!p1 $0x7000;
	[sflag:s7] =	ssyncset.done $0x0  }
0x95: {  	s16 =	simm.s32 @!p1 $0x32;
	s20 =	sadd.s32 @!p1 $0x380, s4;
	[sflag:s7] =	ssyncadd.s32 $0xFFFF9C00  }
0x96: {  	[tilespmem:s5], [sflag:$0x1] =	stream.indirect.gather @!p1 [hbm4b:s3+s16], $0x40, s20, s16, $0xb8;
	[tilespmem:$0x13800] =	vst v63  }
0x97: {  	s6 =	sadd.s32 @!p1 $0x3F0, s4;
	s5 =	sadd.s32 @!p1 $0x3B8, s4;
	s20 =	simm.s32 @!p1 $0x7C80  }
0x98: {  	[tilespmem:s20], [sflag:$0x1] =	stream.indirect.gather @!p1 [hbm4b:s3+s16], $0x40, s5, s16, $0xb8;
	[tilespmem:$0x13800] =	vst v63  }
0x99: {  	s9 =	sadd.s32 @!p1 $0x460, s4;
	s5 =	simm.s32 @!p1 $0x8900;
	s20 =	sadd.s32 @!p1 $0x428, s4  }
0x9a: {  	[tilespmem:s5], [sflag:$0x1] =	stream.indirect.gather @!p1 [hbm4b:s3+s16], $0x40, s6, s16, $0xb8;
	[tilespmem:$0x13800] =	vst v63  }
0x9b: {  	s11 =	sadd.s32 @!p1 $0x4D0, s4;
	s5 =	simm.s32 @!p1 $0x9580;
	s6 =	sadd.s32 @!p1 $0x498, s4  }
0x9c: {  	[tilespmem:s5], [sflag:$0x1] =	stream.indirect.gather @!p1 [hbm4b:s3+s16], $0x40, s20, s16, $0xb8;
	[tilespmem:$0x13800] =	vst v63  }
0x9d: {  	s4 =	sadd.s32 @!p1 $0x508, s4;
	s5 =	simm.s32 @!p1 $0xA200;
	s20 =	smov.u32 s2  }
0x9e: {  	[tilespmem:s5], [sflag:$0x1] =	stream.indirect.gather @!p1 [hbm4b:s3+s16], $0x40, s9, s16, $0xb8;
	[tilespmem:$0x13800] =	vst v63  }
0x9f: {  	s2 =	simm.s32 @!p1 $0xAE80  }
0xa0: {  	[tilespmem:s2], [sflag:$0x1] =	stream.indirect.gather @!p1 [hbm4b:s3+s16], $0x40, s6, s16, $0xb8;
	[tilespmem:$0x13800] =	vst v63  }
0xa1: {  	s2 =	simm.s32 @!p1 $0xBB00  }
0xa2: {  	[tilespmem:s2], [sflag:$0x1] =	stream.indirect.gather @!p1 [hbm4b:s3+s16], $0x40, s11, s16, $0xb8;
	[tilespmem:$0x13800] =	vst v63  }
0xa3: {  	s2 =	simm.s32 @!p1 $0xC780  }
0xa4: {  	[tilespmem:s2], [sflag:$0x1] =	stream.indirect.gather @!p1 [hbm4b:s3+s16], $0x40, s4, s16, $0xb8;
	[tilespmem:$0x13800] =	vst v63  }
0xa5: {  	_ =	swait.ge [sflag:s14], $0x6400  }
0xa6: {  	[sflag:s14] =	ssyncset.done $0x0  }
0xa7: {  	s2 =	sadd.s32 $0x1C00, s18;
	[sflag:s14] =	ssyncadd.s32 $0xFFFF9C00  }
0xa8: {  	[hbm4b:s2+s10] =	stream.strided.scatter [tilespmem:s24], [sflag:$0x3], $0xC80, s12, s10, $0x38;
	[tilespmem:$0x13800] =	vst v63  }
0xa9: {  	s2 =	sadd.s32 $0x1F80, s18  }
0xaa: {  	[hbm4b:s2+s10] =	stream.strided.scatter [tilespmem:s25], [sflag:$0x3], $0xC80, s12, s10, $0x38;
	[tilespmem:$0x13800] =	vst v63  }
0xab: {  	s2 =	sadd.s32 $0x2300, s18  }
0xac: {  	[hbm4b:s2+s10] =	stream.strided.scatter [tilespmem:s26], [sflag:$0x3], $0xC80, s12, s10, $0x38;
	[tilespmem:$0x13800] =	vst v63  }
0xad: {  	s2 =	sadd.s32 $0x2680, s18  }
0xae: {  	[hbm4b:s2+s10] =	stream.strided.scatter [tilespmem:s28], [sflag:$0x3], $0xC80, s12, s10, $0x38;
	[tilespmem:$0x13800] =	vst v63  }
0xaf: {  	s2 =	sadd.s32 $0x2A00, s18  }
0xb0: {  	[hbm4b:s2+s10] =	stream.strided.scatter [tilespmem:s29], [sflag:$0x3], $0xC80, s12, s10, $0x38;
	[tilespmem:$0x13800] =	vst v63  }
0xb1: {  	s2 =	sadd.s32 $0x2D80, s18  }
0xb2: {  	[hbm4b:s2+s10] =	stream.strided.scatter [tilespmem:s30], [sflag:$0x3], $0xC80, s12, s10, $0x38;
	[tilespmem:$0x13800] =	vst v63  }
0xb3: {  	s2 =	sadd.s32 $0x3100, s18  }
0xb4: {  	[hbm4b:s2+s10] =	stream.strided.scatter [tilespmem:s31], [sflag:$0x3], $0xC80, s12, s10, $0x38;
	[tilespmem:$0x13800] =	vst v63  }
.Ltmp0:
0xb5: {  	_ = 	snop;
	(pc) =	sbr.rel @p0 .LBB2_2-.Ltmp0, $4  }
0xb6: {  	s2 =	sadd.s32 $0x3480, s18  }
0xb7: {  	[hbm4b:s2+s10] =	stream.strided.scatter [tilespmem:s0], [sflag:$0x3], $0xC80, s12, s10, $0x38;
	[tilespmem:$0x13800] =	vst v63  }
0xb8: {  	_ =	swait.ge [sflag:s7], $0x6400  }
0xb9: {  	s18 =	sadd.s32 $0x3800, s18;
	[sflag:s7] =	ssyncset.done $0x0  }
0xba: {  	s2 =	sshra.s32 s20, $0x2  }
0xbb: {  	[sflag:s7] =	ssyncadd.s32 $0xFFFF9C00;
	s4 =	sadd.s32 $0x1C0, s2  }
0xbc: {  	[tilespmem:s24], [sflag:$0x2] =	stream.indirect.gather [hbm4b:s3+s8], $0x40, s4, s8, $0xb8;
	[tilespmem:$0x13800] =	vst v63  }
0xbd: {  	s11 =	sadd.s32 $0x1F8, s2  }
0xbe: {  	[tilespmem:s25], [sflag:$0x2] =	stream.indirect.gather [hbm4b:s3+s8], $0x40, s11, s8, $0xb8;
	[tilespmem:$0x13800] =	vst v63  }
0xbf: {  	s16 =	sadd.s32 $0x230, s2  }
0xc0: {  	[tilespmem:s26], [sflag:$0x2] =	stream.indirect.gather [hbm4b:s3+s8], $0x40, s16, s8, $0xb8;
	[tilespmem:$0x13800] =	vst v63  }
0xc1: {  	s22 =	sadd.s32 $0x268, s2  }
0xc2: {  	[tilespmem:s28], [sflag:$0x2] =	stream.indirect.gather [hbm4b:s3+s8], $0x40, s22, s8, $0xb8;
	[tilespmem:$0x13800] =	vst v63  }
0xc3: {  	s5 =	sadd.s32 $0x2A0, s2  }
0xc4: {  	[tilespmem:s29], [sflag:$0x2] =	stream.indirect.gather [hbm4b:s3+s8], $0x40, s5, s8, $0xb8;
	[tilespmem:$0x13800] =	vst v63  }
0xc5: {  	s6 =	sadd.s32 $0x2D8, s2  }
0xc6: {  	[tilespmem:s30], [sflag:$0x2] =	stream.indirect.gather [hbm4b:s3+s8], $0x40, s6, s8, $0xb8;
	[tilespmem:$0x13800] =	vst v63  }
0xc7: {  	s9 =	sadd.s32 $0x310, s2  }
0xc8: {  	[tilespmem:s31], [sflag:$0x2] =	stream.indirect.gather [hbm4b:s3+s8], $0x40, s9, s8, $0xb8;
	[tilespmem:$0x13800] =	vst v63  }
0xc9: {  	s2 =	sadd.s32 $0x348, s2  }
0xca: {  	[tilespmem:s0], [sflag:$0x2] =	stream.indirect.gather [hbm4b:s3+s8], $0x40, s2, s8, $0xb8;
	[tilespmem:$0x13800] =	vst v63  }
0xcb: {  	_ =	swait.ge [sflag:s1], $0x6400  }
0xcc: {  	[sflag:s1] =	ssyncset.done $0x0  }
0xcd: {  	[sflag:s1] =	ssyncadd.s32 $0xFFFF9C00  }
0xce: {  	[hbm4b:s18+s10] =	stream.strided.scatter [tilespmem:s13], [sflag:$0x3], $0xC80, s12, s10, $0x38;
	[tilespmem:$0x13800] =	vst v63  }
0xcf: {  	s11 =	sadd.s32 $0x380, s18  }
0xd0: {  	[hbm4b:s11+s10] =	stream.strided.scatter [tilespmem:s15], [sflag:$0x3], $0xC80, s12, s10, $0x38;
	[tilespmem:$0x13800] =	vst v63  }
0xd1: {  	s16 =	sadd.s32 $0x700, s18  }
0xd2: {  	[hbm4b:s16+s10] =	stream.strided.scatter [tilespmem:s17], [sflag:$0x3], $0xC80, s12, s10, $0x38;
	[tilespmem:$0x13800] =	vst v63  }
0xd3: {  	s22 =	sadd.s32 $0xA80, s18  }
0xd4: {  	[hbm4b:s22+s10] =	stream.strided.scatter [tilespmem:s19], [sflag:$0x3], $0xC80, s12, s10, $0x38;
	[tilespmem:$0x13800] =	vst v63  }
0xd5: {  	s4 =	sadd.s32 $0xE00, s18  }
0xd6: {  	[hbm4b:s4+s10] =	stream.strided.scatter [tilespmem:s21], [sflag:$0x3], $0xC80, s12, s10, $0x38;
	[tilespmem:$0x13800] =	vst v63  }
0xd7: {  	s5 =	sadd.s32 $0x1180, s18  }
0xd8: {  	[hbm4b:s5+s10] =	stream.strided.scatter [tilespmem:s23], [sflag:$0x3], $0xC80, s12, s10, $0x38;
	[tilespmem:$0x13800] =	vst v63  }
0xd9: {  	s6 =	sadd.s32 $0x1500, s18;
	s9 =	simm.s32 $0xBB00  }
0xda: {  	[hbm4b:s6+s10] =	stream.strided.scatter [tilespmem:s9], [sflag:$0x3], $0xC80, s12, s10, $0x38;
	[tilespmem:$0x13800] =	vst v63  }
0xdb: {  	s11 =	sadd.s32 $0x1880, s18;
	s16 =	simm.s32 $0xC780  }
0xdc: {  	[hbm4b:s11+s10] =	stream.strided.scatter [tilespmem:s16], [sflag:$0x3], $0xC80, s12, s10, $0x38;
	[tilespmem:$0x13800] =	vst v63  }
0xdd: {  	p0 =	seq.s32 s20, $0x1B200;
	_ =	swait.ge [sflag:s7], $0x6400  }
0xde: {  	s2 =	sshra.s32 @!p0 s20, $0x2;
	s4 =	simm.s32 @!p0 $0x7000;
	[sflag:s7] =	ssyncset.done $0x0  }
0xdf: {  	s5 =	sadd.s32 @!p0 $0x380, s2;
	s6 =	simm.s32 @!p0 $0x32;
	[sflag:s7] =	ssyncadd.s32 $0xFFFF9C00  }
0xe0: {  	[tilespmem:s4], [sflag:$0x1] =	stream.indirect.gather @!p0 [hbm4b:s3+s6], $0x40, s5, s6, $0xb8;
	[tilespmem:$0x13800] =	vst v63  }
0xe1: {  	s4 =	sadd.s32 @!p0 $0x3B8, s2;
	s5 =	simm.s32 @!p0 $0x7C80  }
0xe2: {  	[tilespmem:s5], [sflag:$0x1] =	stream.indirect.gather @!p0 [hbm4b:s3+s6], $0x40, s4, s6, $0xb8;
	[tilespmem:$0x13800] =	vst v63  }
0xe3: {  	s4 =	sadd.s32 @!p0 $0x3F0, s2;
	s5 =	simm.s32 @!p0 $0x8900  }
0xe4: {  	[tilespmem:s5], [sflag:$0x1] =	stream.indirect.gather @!p0 [hbm4b:s3+s6], $0x40, s4, s6, $0xb8;
	[tilespmem:$0x13800] =	vst v63  }
0xe5: {  	s4 =	sadd.s32 @!p0 $0x428, s2;
	s5 =	simm.s32 @!p0 $0x9580  }
0xe6: {  	[tilespmem:s5], [sflag:$0x1] =	stream.indirect.gather @!p0 [hbm4b:s3+s6], $0x40, s4, s6, $0xb8;
	[tilespmem:$0x13800] =	vst v63  }
0xe7: {  	s4 =	sadd.s32 @!p0 $0x460, s2;
	s5 =	simm.s32 @!p0 $0xA200  }
0xe8: {  	[tilespmem:s5], [sflag:$0x1] =	stream.indirect.gather @!p0 [hbm4b:s3+s6], $0x40, s4, s6, $0xb8;
	[tilespmem:$0x13800] =	vst v63  }
0xe9: {  	s4 =	sadd.s32 @!p0 $0x498, s2;
	s5 =	simm.s32 @!p0 $0xAE80  }
0xea: {  	[tilespmem:s5], [sflag:$0x1] =	stream.indirect.gather @!p0 [hbm4b:s3+s6], $0x40, s4, s6, $0xb8;
	[tilespmem:$0x13800] =	vst v63  }
0xeb: {  	s4 =	sadd.s32 @!p0 $0x4D0, s2;
	s5 =	simm.s32 @!p0 $0xBB00  }
0xec: {  	[tilespmem:s5], [sflag:$0x1] =	stream.indirect.gather @!p0 [hbm4b:s3+s6], $0x40, s4, s6, $0xb8;
	[tilespmem:$0x13800] =	vst v63  }
0xed: {  	s2 =	sadd.s32 @!p0 $0x508, s2;
	s4 =	simm.s32 @!p0 $0xC780  }
0xee: {  	[tilespmem:s4], [sflag:$0x1] =	stream.indirect.gather @!p0 [hbm4b:s3+s6], $0x40, s2, s6, $0xb8;
	[tilespmem:$0x13800] =	vst v63  }
0xef: {  	_ =	swait.ge [sflag:s14], $0x6400  }
0xf0: {  	[sflag:s14] =	ssyncset.done $0x0  }
0xf1: {  	s22 =	sadd.s32 $0x1C00, s18;
	[sflag:s14] =	ssyncadd.s32 $0xFFFF9C00  }
0xf2: {  	[hbm4b:s22+s10] =	stream.strided.scatter [tilespmem:s24], [sflag:$0x3], $0xC80, s12, s10, $0x38;
	[tilespmem:$0x13800] =	vst v63  }
0xf3: {  	s4 =	sadd.s32 $0x1F80, s18  }
0xf4: {  	[hbm4b:s4+s10] =	stream.strided.scatter [tilespmem:s25], [sflag:$0x3], $0xC80, s12, s10, $0x38;
	[tilespmem:$0x13800] =	vst v63  }
0xf5: {  	s5 =	sadd.s32 $0x2300, s18  }
0xf6: {  	[hbm4b:s5+s10] =	stream.strided.scatter [tilespmem:s26], [sflag:$0x3], $0xC80, s12, s10, $0x38;
	[tilespmem:$0x13800] =	vst v63  }
0xf7: {  	s6 =	sadd.s32 $0x2680, s18  }
0xf8: {  	[hbm4b:s6+s10] =	stream.strided.scatter [tilespmem:s28], [sflag:$0x3], $0xC80, s12, s10, $0x38;
	[tilespmem:$0x13800] =	vst v63  }
0xf9: {  	s9 =	sadd.s32 $0x2A00, s18  }
0xfa: {  	[hbm4b:s9+s10] =	stream.strided.scatter [tilespmem:s29], [sflag:$0x3], $0xC80, s12, s10, $0x38;
	[tilespmem:$0x13800] =	vst v63  }
0xfb: {  	s11 =	sadd.s32 $0x2D80, s18  }
0xfc: {  	[hbm4b:s11+s10] =	stream.strided.scatter [tilespmem:s30], [sflag:$0x3], $0xC80, s12, s10, $0x38;
	[tilespmem:$0x13800] =	vst v63  }
0xfd: {  	s16 =	sadd.s32 $0x3100, s18  }
0xfe: {  	[hbm4b:s16+s10] =	stream.strided.scatter [tilespmem:s31], [sflag:$0x3], $0xC80, s12, s10, $0x38;
	[tilespmem:$0x13800] =	vst v63  }
0xff: {  	s18 =	sadd.s32 $0x3480, s18  }
0x100: {  	[hbm4b:s18+s10] =	stream.strided.scatter [tilespmem:s0], [sflag:$0x3], $0xC80, s12, s10, $0x38;
	[tilespmem:$0x13800] =	vst v63  }
0x101: {  	_ =	swait.ge [sflag:s7], $0x6400  }
0x102: {  	s20 =	rddreg [dreg:$0x6]  }
0x103: {  	s22 =	rddreg [dreg:$0x4];
	s4 =	sadd.s32 $0x1, s20  }
0x104: {  	p0 =	sne.s32 s4, s22  }
.Ltmp1:
0x105: {  	_ = 	snop;
	(pc) =	sbr.rel @p0 .LBB2_1-.Ltmp1, $3  }
0x106: {  	_ =	sdelay $0x1  }
0x107: {  	[sflag:s7] =	ssyncset.done $0x0  }
0x108: {  	[sflag:s7] =	ssyncadd.s32 $0xFFFF9C00  }
0x109: {  	_ =	sfence.sel $0x180000  }
0x10a: {  	[bflag:$0x0] =	sbarrier.arrive $0xFFFF  }
0x10b: {  	_ =	strace $0x90000047  }
0x10c: {  	s0 =	stileid.u32;
	[bflag:$0x2] =	sbarrier.arrive $0xFFFF  }
0x10d: {  	p0 =	sne.s32 s0, $0x0;
	s0 =	rddreg [dreg:$0x2]  }
0x10e: {  	s0 =	sadd.s32 @!p0 $0x100000, s0  }
0x10f: {  	[sflag:s0] =	ssyncadd.tile.s32 @!p0 $0x1;
	_ =	shalt  }
.Lfunc_end2:
_tile_overlayer_lowered:
.L_overlay_start_2:
0x110: {  	(tag) =	ssettag $0x2  }
0x111: {  	s0 =	rddreg [dreg:$0x0];
	s2 =	stileid.u32  }
0x112: {  	s1 =	rddreg [dreg:$0x1];
	p0 =	sne.s32 s2, $0x0  }
0x113: {  	s3 =	rddreg [dreg:$0x2];
	[bflag:$0x3] =	sbarrier.arrive $0xFFFF;
	s2 =	simm.s32 @!p0 $0x1C03  }
0x114: {  	[timem:s3], [sflag:s2] =	dma.local @!p0 [hbm:s0], s1  }
0x115: {  	s0 =	simm.s32 @!p0 $0x3  }
0x116: {  	_ =	swait.ge @!p0 [sflag:s0], s1  }
0x117: {  	s1 =	ssub.s32 @!p0 $0x0, s1;
	[sflag:s0] =	ssyncset.done @!p0 $0x0  }
0x118: {  	[sflag:s0] =	ssyncadd.s32 @!p0 s1  }
0x119: {  	[bflag:$0x3] =	sbarrier.arrive $0xFFFF  }
0x11a: {  	_ =	shalt  }

// kernel: sparse-core-data-format-call.cloned.1.call-start
scs
called_computation_lowered:
.L_overlay_start_0:
0x0: {  	s2 =	sld [smem:$0x3FD9]  }
0x1: {  	s3 =	sld [smem:$0x3FFE];
	_ =	sdelay $0x1  }
0x2: {  	s1 =	srdreg.scid  }
0x3: {  	s0 =	sand.u32 $0x1, s1  }
0x4: {  	s18 =	sshll.u32 s0, $0xA;
	s2 =	sadd.s32 s3, s2  }
0x5: {  	s2 =	sadd.s32 s2, s18  }
0x6: {  	[smem:$0x3FC6] =	sst s2  }
0x7: {  	_ = 	snop  }
0x8: {  	s2 =	sld [smem:$0x3FD0];
	(tm) =	ssettm $0x1  }
0x9: {  	s19 =	sld [smem:$0x3FFB];
	_ =	sdelay $0x3  }
0xa: {  	_ =	strace s19  }
0xb: {  	s3 =	sld [smem:$0x3FFC];
	_ =	sdelay $0x3  }
0xc: {  	_ =	strace s3  }
0xd: {  	s3 =	sld [smem:$0x3FFD];
	_ =	sdelay $0x3  }
0xe: {  	_ =	strace s3  }
0xf: {  	_ =	strace $0x8FFFFFFF  }
0x10: {  	s20 =	sld [smem:$0x3FDB];
	_ =	sdelay $0x1  }
0x11: {  	s4 =	simm.s32 $_scs_section_size  }
0x12: {  	s5 =	simm.s32 $_size__tile_overlayer_lowered;
	s6 =	simm.s32 $_tile_overlayer_lowered  }
0x13: {  	s23 =	simm.s32 $0x1BFF;
	s22 =	sshll.u32 s6, $0x1;
	s3 =	sadd.s32 s4, s20  }
0x14: {  	s7 =	simm.s32 $0x0;
	s21 =	sshll.u32 s5, $0x1;
	s5 =	sadd.s32 s22, s3  }
0x15: {  	[timem:s7], [sflag:s23] =	dma.local [hbm:s5], s21  }
0x16: {  	_ =	swait.ge [sflag:s23], s21  }
0x17: {  	s4 =	ssub.s32 $0x0, s21;
	[sflag:s23] =	ssyncset.done $0x0  }
0x18: {  	[sflag:s23] =	ssyncadd.s32 s4;
	_ =	sdelay $0x1  }
0x19: {  	s24 =	simm.s32 $0x1B8B  }
0x1a: {  	_ =	swait.ge [sflag:s24], $0x1  }
0x1b: {  	[sflag:s24] =	ssyncset.done $0x0  }
0x1c: {  	s26 =	simm.s32 $0x1B8E;
	s25 =	sld [smem:$0x3FFE];
	[sflag:s24] =	ssyncadd.s32 $0xFFFFFFFF  }
0x1d: {  	s27 =	simm.s32 $execute0_lowered;
	[smem:$0x3FD2] =	sst s26  }
0x1e: {  	s5 =	sshll.u32 s27, $0x1;
	_ =	strace $0x80000049;
	[dreg:$0x1] =	wrdreg $0xFFFFFFFF  }
0x1f: {  	s28 =	simm.s32 $_size_execute0_lowered;
	s3 =	sadd.s32 s3, s5;
	[dreg:$0x0] =	wrdreg $0x0  }
0x20: {  	s5 =	sshll.u32 s28, $0x1;
	[dreg:$0x2] =	wrdreg s3  }
0x21: {  	[dreg:$0x3] =	wrdreg s5  }
0x22: {  	[dreg:$0x4] =	wrdreg $0xC0  }
0x23: {  	_ =	task [dreg:s7], $0x5FFFF  }
0x24: {  	[dreg:$0x1] =	wrdreg $0xFFFFFFFF  }
0x25: {  	[dreg:$0x0] =	wrdreg $0x60  }
0x26: {  	[dreg:$0x2] =	wrdreg s25  }
0x27: {  	[dreg:$0x3] =	wrdreg s2  }
0x28: {  	[dreg:$0x4] =	wrdreg $0x9  }
0x29: {  	_ =	task.clear_ibuf [dreg:s7], $0x5FFFF;
	_ =	strace $0x90000049  }
0x2a: {  	s29 =	simm.s32 $0x9;
	_ =	strace $0x8000004B  }
0x2b: {  	_ =	swait.ge [sflag:s29], $0x1  }
0x2c: {  	[sflag:s29] =	ssyncadd.s32 $0xFFFFFFFF  }
0x2d: {  	_ =	strace $0x9000004B  }
0x2e: {  	_ =	sfence  }
0x2f: {  	s30 =	sld [smem:$0x0];
	_ =	sdelay $0x2  }
0x30: {  	s31 =	sshll.u32 s1, $0xD;
	s1 =	sshrl.u32 s1, $0x2  }
0x31: {  	s3 =	sand.u32 $0x4000, s31;
	s1 =	sadd.s32 s1, s30  }
0x32: {  	s0 =	sor.u32 s3, s0;
	s1 =	sshll.u32 s1, $0x11  }
0x33: {  	s0 =	sor.u32 s1, s0  }
0x34: {  	s0 =	sadd.s32 $0x8F2B, s0  }
0x35: {  	[sflag:s0] =	ssyncadd.remote.s32 $0x1  }
0x36: {  	_ =	sfence.sel $0xFFFF  }
0x37: {  	[dreg:$0x0] =	wrdreg $0xFFFFFFFF;
	(pc) =	sbr.abs _section_cstart, $3  }
0x38: {  	[dreg:$0x1] =	wrdreg $0xFFFFFFFF  }
0x39: {  	_ =	task.clear_ibuf [dreg:s7], $0x2FFFF;
	_ =	strace $0x9FFFFFFF  }
0x3a: {  	(tm) =	ssettm $0x7FFFFFFF  }
0x3b: {  	_ =	shalt  }
tec
execute0_lowered:
.L_overlay_start_1:
0x0: {  	(tag) =	ssettag $0x1  }
0x1: {  	s0 =	srdreg.scid  }
0x2: {  	s1 =	sshll.u32 s0, $0x4  }
0x3: {  	s0 =	stileid.u32;
	s1 =	sand.u32 $0x10, s1  }
0x4: {  	s1 =	sor.u32 s0, s1  }
0x5: {  	s6 =	rddreg [dreg:$0x0];
	s4 =	simm.s32 $0x1;
	s2 =	sshll.u32 s1, $0x7  }
0x6: {  	s7 =	simm.s32 $0x2;
	s12 =	simm.s32 $0x0;
	s1 =	ssub.s32 $0x4000, s2  }
0x7: {  	s8 =	simm.s32 $0x20000;
	s13 =	simm.s32 $0x0;
	s3 =	sand.u32 $0xF80, s1  }
0x8: {  	s9 =	simm.s32 $0x0;
	s5 =	sshrl.u32 s1, $0xC;
	p0 =	sne.s32 s3, $0x0  }
.Ltmp0:
0x9: {  	s1 =	rddreg [dreg:$0x2];
	s4 =	simm.s32 @!p0 $0x0;
	(pc) =	sbr.rel .LBB1_1-.Ltmp0, $4  }
0xa: {  	s11 =	simm.s32 $0x0;
	s3 =	rddreg [dreg:$0x1];
	s5 =	sadd.s32 s4, s5  }
0xb: {  	_ =	strace $0x8000004A;
	s4 =	simm.s32 $0x1;
	s5 =	smul.u32 $0x32, s5  }
0xc: {  	s6 =	sadd.s32 $0xA00, s6;
	s10 =	smov.u32 s2;
	[sflag:s4] =	ssyncpa.u1 $0x0  }
0xd: {  	p0 =	por $0x0, $0x0;
	[sflag:s7] =	ssyncpa.u1 $0x0;
	s7 =	sor.u32 $0x1, s5  }
.LBB1_4:
0xe: {  	s16 =	sshll.u32 s13, $0x3;
	s17 =	sand.u32 $0x78, s13  }
0xf: {  	s30 =	sand.u32 $0x1F800, s13;
	s12 =	sshll.u32 s12, $0x11;
	s16 =	sand.u32 $0x3C00, s16  }
0x10: {  	[tilespmem:s15+$0x810 ss:$0x81] =	vst.msk $0xffff, v2;
	s31 =	sand.u32 $0x7, s13;
	s16 =	sor.u32 s17, s16;
	s17 =	sadd.s32 s3, s30  }
0x11: {  	[tilespmem:s15+$0x1020 ss:$0x81] =	vst.msk $0xffff, v0;
	s13 =	sshll.u32 s31, $0x12;
	s12 =	sadd.s32 s12, s17;
	s16 =	sshrl.u32 s16, $0x3  }
0x12: {  	[tilespmem:s15+$0x0 ss:$0x81] =	vst.msk $0xffff, v1;
	s13 =	sor.u32 $0x400, s13;
	s12 =	sadd.s32 s16, s12  }
0x13: {  	[hbm4b:s12+s13] =	stream.strided.scatter [tilespmem:s14], [sflag:$0x2], $0x2000, s8, s13, $0x20;
	[tilespmem:$0x8080] =	vst v63  }
.LBB1_5:
0x14: {  	s14 =	sadd.s32 $0x1, s9  }
0x15: {  	s12 =	sadd.s32 $0x1000, s10;
	s16 =	smov.u32 s10;
	p2 =	sgt.s32 s14, $0x31  }
0x16: {  	s16 =	smov.u32 @p2 s12  }
0x17: {  	s14 =	simm.s32 @p2 $0x0;
	p2 =	sgt.s32 s16, $0x3FFF  }
0x18: {  	s16 =	smov.u32 @p2 s2;
	p2 =	sne.s32 s11, s7  }
.Ltmp1:
0x19: {  	p1 =	slt.u32 s11, $0x2;
	(pc) =	sbr.rel @!p2 .LBB1_6-.Ltmp1, $4  }
0x1a: {  	s15 =	simm.s32 @!p1 $0x2  }
0x1b: {  	s13 =	smov.u32 s10;
	p0 =	por !p0, !p0;
	_ =	swait.ge @!p1 [sflag:s15], $0x2000  }
0x1c: {  	s12 =	smov.u32 s9;
	[sflag:s15] =	ssyncset.done @!p1 $0x0;
	s9 =	smov.u32 s14  }
0x1d: {  	s11 =	sadd.s32 $0x1, s11;
	[sflag:s15] =	ssyncadd.s32 @!p1 $0xFFFFE000;
	s10 =	smov.u32 s16  }
.LBB1_1:
0x1e: {  	p1 =	sge.u32 s11, s5  }
0x1f: {  	s14 =	sand.u32 @!p1 $0x1FFFFFF, s9  }
0x20: {  	s15 =	smulhi.u32 @!p1 $0x4924925, s14;
	_ =	sdelay $0x1  }
0x21: {  	s15 =	smul.u32 @!p1 $0x38, s15  }
0x22: {  	s16 =	sxor.u32 @!p1 $0xFFFFFFFF, s11;
	s17 =	smul.u32 @!p1 $0x380, s10  }
0x23: {  	s31 =	sadd.s32 $0xFFFFFFFF, s11;
	s16 =	sshll.u32 @!p1 s16, $0xD;
	s14 =	ssub.s32 @!p1 s14, s15  }
0x24: {  	s15 =	sand.u32 @!p1 $0x2000, s16;
	s16 =	sadd.s32 @!p1 s6, s17;
	s14 =	sshll.u32 @!p1 s14, $0x4  }
0x25: {  	s17 =	simm.s32 @!p1 $0x1C00;
	s14 =	sadd.s32 @!p1 s14, s16;
	s16 =	simm.s32 @!p1 $0x40  }
0x26: {  	[tilespmem:s15], [sflag:$0x1] =	stream.strided.gather @!p1 [hbm4b:s14+s16], $0x2000, s17, s16, $0x38;
	[tilespmem:$0x8080] =	vst v63  }
0x27: {  	p1 =	sge.u32 s31, s5  }
.Ltmp2:
0x28: {  	_ = 	snop;
	(pc) =	sbr.rel @p1 .LBB1_5-.Ltmp2, $1  }
0x29: {  	_ =	sdelay $0x3  }
0x2a: {  	s14 =	simm.s32 $0x1  }
0x2b: {  	_ =	swait.ge [sflag:s4], $0x2000;
	s14 =	simm.s32 @!p0 $0x0  }
0x2c: {  	[sflag:s4] =	ssyncset.done $0x0;
	s15 =	sshll.u32 s14, $0xD  }
0x2d: {  	[sflag:s4] =	ssyncadd.s32 $0xFFFFE000;
	s18 =	sor.u32 $0x20, s15  }
0x2e: {  	s14 =	smul.u32 $0x8100, s14;
	v3 =	vld [tilespmem:s18+$0x10]  }
0x2f: {  	s30 =	sand.u32 $0x1, s11;
	v2 =	vld [tilespmem:s18+$0xFFFFFFF0]  }
0x30: {  	s15 =	smul.u32 $0x8100, s30;
	s14 =	sshrl.u32 s14, $0x2;
	v0 =	vld [tilespmem:s18+$0x0]  }
0x31: {  	v1 =	vld [tilespmem:s18+$0xFFFFFFE0];
	s16 =	sor.u32 $0x4000, s14  }
0x32: {  	s31 =	sshrl.u32 s15, $0x2;
	s15 =	sadd.s32 $0x0, s16  }
0x33: {  	s17 =	simm.s32 $0x4;
	s18 =	sadd.s32 $0x40, s18;
	s14 =	sor.u32 $0x4000, s31;
	[tilespmem:s15+$0x1830 ss:$0x81] =	vst.msk $0xffff, v3  }
.LBB1_3:
0x34: {  	v3 =	vld [tilespmem:s18+$0x10];
	p1 =	sne.s32 s17, $0x1FC;
	[tilespmem:s15+$0x810 ss:$0x81] =	vst.msk $0xffff, v2;
	s19 =	smov.u32 s17;
	s17 =	sadd.s32 $0x4, s17  }
.Ltmp3:
0x35: {  	v2 =	vld [tilespmem:s18+$0xFFFFFFF0];
	[tilespmem:s15+$0x1020 ss:$0x81] =	vst.msk $0xffff, v0;
	(pc) =	sbr.rel @p1 .LBB1_3-.Ltmp3, $4  }
0x36: {  	v0 =	vld [tilespmem:s18+$0x0];
	[tilespmem:s15+$0x0 ss:$0x81] =	vst.msk $0xffff, v1  }
0x37: {  	s15 =	sshra.s32 s19, $0x2;
	v1 =	vld [tilespmem:s18+$0xFFFFFFE0]  }
0x38: {  	s15 =	sadd.s32 s15, s16  }
0x39: {  	s18 =	sadd.s32 $0x40, s18;
	[tilespmem:s15+$0x1830 ss:$0x81] =	vst.msk $0xffff, v3  }
.Ltmp4:
0x3a: {  	_ = 	snop;
	(pc) =	sbr.rel .LBB1_4-.Ltmp4, $1  }
0x3b: {  	_ =	sdelay $0x3  }
.LBB1_6:
0x3c: {  	_ =	sfence.sel $0x180000  }
0x3d: {  	s2 =	simm.s32 $0x1;
	[bflag:$0x0] =	sbarrier.arrive $0xFFFF  }
0x3e: {  	s31 =	simm.s32 $0x2;
	[sflag:s2] =	ssyncpa.u1 $0x1  }
0x3f: {  	[sflag:s31] =	ssyncpa.u1 $0x1  }
0x40: {  	p0 =	sne.s32 s0, $0x0;
	_ =	strace $0x9000004A  }
0x41: {  	s0 =	sadd.s32 @!p0 $0x100000, s1;
	[bflag:$0x2] =	sbarrier.arrive $0xFFFF  }
0x42: {  	[sflag:s0] =	ssyncadd.tile.s32 @!p0 $0x1;
	_ =	shalt  }
.Lfunc_end1:
_tile_overlayer_lowered:
.L_overlay_start_2:
0x43: {  	(tag) =	ssettag $0x2  }
0x44: {  	s0 =	rddreg [dreg:$0x0];
	s2 =	stileid.u32  }
0x45: {  	s1 =	rddreg [dreg:$0x1];
	p0 =	sne.s32 s2, $0x0  }
0x46: {  	s3 =	rddreg [dreg:$0x2];
	[bflag:$0x3] =	sbarrier.arrive $0xFFFF;
	s2 =	simm.s32 @!p0 $0x1C01  }
0x47: {  	[timem:s3], [sflag:s2] =	dma.local @!p0 [hbm:s0], s1  }
0x48: {  	s0 =	simm.s32 @!p0 $0x1  }
0x49: {  	_ =	swait.ge @!p0 [sflag:s0], s1  }
0x4a: {  	s1 =	ssub.s32 @!p0 $0x0, s1;
	[sflag:s0] =	ssyncset.done @!p0 $0x0  }
0x4b: {  	[sflag:s0] =	ssyncadd.s32 @!p0 s1  }
0x4c: {  	[bflag:$0x3] =	sbarrier.arrive $0xFFFF  }
0x4d: {  	_ =	shalt  }

</sc_bundles>
